<compile_context>
chip_gen: v7x
topology: tpu7x:2x2x1
jax: 0.10.2.dev20260603
libtpu: 0.0.44.dev20260713+nightly
codegen_flags: <defaults>
</compile_context>

<pallas_src>
import functools

import jax
import jax.numpy as jnp
from jax import lax
from jax.experimental import pallas as pl
from jax.experimental.pallas import tpu as pltpu
from jax.experimental.pallas import tpu_sc as plsc

ROWS = 2048
W = 32768
NV = W // 16
K = 512
HBITS = 9
HB = 1 << HBITS
SHIFT = 31 - HBITS
NW = 32
RPW = ROWS // NW

_mesh = plsc.VectorSubcoreMesh(core_axis_name="c", subcore_axis_name="s")


def _scalar(v):
    return jnp.reshape(lax.slice(v, (0,), (1,)), ())


@functools.partial(
    pl.kernel,
    out_type=jax.ShapeDtypeStruct((ROWS * 16,), jnp.float32),
    mesh=_mesh,
    compiler_params=pltpu.CompilerParams(needs_layout_passes=False),
    scratch_types=[
        pltpu.VMEM((W,), jnp.float32),
        pltpu.VMEM((W,), jnp.float32),
        pltpu.VMEM((HB * 16,), jnp.int32),
        pltpu.VMEM((W + 16,), jnp.int32),
        pltpu.VMEM((RPW * 16,), jnp.float32),
        pltpu.SemaphoreType.DMA,
        pltpu.SemaphoreType.DMA,
    ],
)
def _sc_thresh(x_hbm, t_hbm, row_a, row_b, hist_v, cand_v, thr_v, sem_a, sem_b):
    wid = lax.axis_index("s") * 2 + lax.axis_index("c")
    lane = lax.iota(jnp.int32, 16)
    ones16 = jnp.ones((16,), jnp.int32)
    zero16i = jnp.zeros((16,), jnp.int32)
    base = wid * RPW

    def do_row(rr, row_v):
        @plsc.parallel_loop(0, HB, unroll=8)
        def zb(i):
            hist_v[pl.ds(i * 16, 16)] = zero16i

        @plsc.parallel_loop(0, NV, unroll=8, carry=zero16i)
        def h1(i, mk):
            v = row_v[pl.ds(i * 16, 16)]
            keys = plsc.bitcast(v, jnp.int32) & jnp.int32(0x7FFFFFFF)
            plsc.addupdate_scatter(
                hist_v, (((keys >> SHIFT) << 4) + lane,), ones16)
            return jnp.maximum(mk, keys)
        maxk = jnp.max(h1)

        def hcnt(b):
            return jnp.sum(hist_v[pl.ds(b * 16, 16)])

        def wcond(bc):
            b, acc = bc
            return acc + hcnt(b) < K

        def wbody(bc):
            b, acc = bc
            return b - 1, acc + hcnt(b)

        bstar, acc = lax.while_loop(wcond, wbody, (maxk >> SHIFT, jnp.int32(0)))
        k2 = K - acc

        @plsc.parallel_loop(0, NV, unroll=8, carry=zero16i)
        def cp(i, off):
            v = row_v[pl.ds(i * 16, 16)]
            keys = plsc.bitcast(v, jnp.int32) & jnp.int32(0x7FFFFFFF)
            m = (keys >> SHIFT) == bstar
            mi = jnp.where(m, 1, 0)
            pos = off + plsc.cumsum(mi) - 1
            plsc.store_scatter(cand_v, (pos,), keys, mask=m)
            return off + plsc.all_reduce_population_count(m)
        ncand = _scalar(cp)
        cand_v[pl.ds(ncand, 16)] = zero16i

        nvc = (ncand + 15) >> 4

        def bit_step(j, lo):
            mid = lo | (jnp.int32(1) << (jnp.int32(SHIFT - 1) - j))

            @plsc.parallel_loop(0, nvc, unroll=4, carry=zero16i)
            def av(i, a):
                vk = cand_v[pl.ds(i * 16, 16)]
                return a + jnp.where(vk >= mid, 1, 0)
            return jnp.where(jnp.sum(av) >= k2, mid, lo)
        thr = lax.fori_loop(0, SHIFT, bit_step, bstar << SHIFT)

        thr_v[pl.ds(rr * 16, 16)] = plsc.bitcast(zero16i + thr, jnp.float32)

    HW = W // 2

    def start_row(r, buf, sem):
        pltpu.make_async_copy(
            x_hbm.at[r, pl.ds(0, HW)], buf.at[pl.ds(0, HW)], sem).start()
        pltpu.make_async_copy(
            x_hbm.at[r, pl.ds(HW, HW)], buf.at[pl.ds(HW, HW)], sem).start()

    def wait_row(r, buf, sem):
        pltpu.make_async_copy(
            x_hbm.at[r, pl.ds(0, HW)], buf.at[pl.ds(0, HW)], sem).wait()
        pltpu.make_async_copy(
            x_hbm.at[r, pl.ds(HW, HW)], buf.at[pl.ds(HW, HW)], sem).wait()

    start_row(base, row_a, sem_a)

    def do_pair(p, carry):
        r0 = base + 2 * p
        start_row(r0 + 1, row_b, sem_b)
        wait_row(r0, row_a, sem_a)
        do_row(2 * p, row_a)

        @pl.when(p < RPW // 2 - 1)
        def _():
            start_row(r0 + 2, row_a, sem_a)

        wait_row(r0 + 1, row_b, sem_b)
        do_row(2 * p + 1, row_b)
        return carry

    lax.fori_loop(0, RPW // 2, do_pair, 0)
    pltpu.sync_copy(thr_v, t_hbm.at[pl.ds(wid * RPW * 16, RPW * 16)])


BR = 32


def _tc_mask(x_ref, t_ref, o_ref):
    x = x_ref[...]
    o_ref[...] = jnp.where(jnp.abs(x) >= t_ref[...], x, jnp.float32(0))


_mask_call = pl.pallas_call(
    _tc_mask,
    grid=(ROWS // BR,),
    in_specs=[
        pl.BlockSpec((BR, W), lambda i: (i, 0)),
        pl.BlockSpec((BR, 1), lambda i: (i, 0)),
    ],
    out_specs=pl.BlockSpec((BR, W), lambda i: (i, 0)),
    out_shape=jax.ShapeDtypeStruct((ROWS, W), jnp.float32),
)


def kernel(input):
    x = input
    B, C, _ = x.shape
    x2 = x.reshape(ROWS, W)
    thr = _sc_thresh(x2).reshape(ROWS, 16)[:, :1]
    out = _mask_call(x2, thr)
    return out.reshape(B, C, W)

# --- scband reference (transcript-rebuilt; emitter-appended) ---
"""Pipeline reference for scband-top-kabsolutes1-d-33938831573313 (READ-ONLY COPY).

The authoritative reference and input builder live on the scoring server;
editing this copy changes nothing except your own understanding.
"""

import jax, jax.numpy as jnp
import numpy as np

K = 512

def setup_inputs(seed: int = 0) -> dict:
    key = jax.random.key(seed)
    x = jax.random.normal(key, (64, 32, 32768), dtype=jnp.float32)
    return {"input": x}

def reference(input):
    x = input
    B, C, W = x.shape
    # top-k of absolute values along last dim
    _, idx = jax.lax.top_k(jnp.abs(x), K)  # idx: (B, C, K)
    vals = jnp.take_along_axis(x, idx, axis=-1)  # gather original values
    # scatter into zeros along last axis
    flat_zeros = jnp.zeros((B * C, W), dtype=x.dtype)
    idx2 = idx.reshape(B * C, K)
    vals2 = vals.reshape(B * C, K)
    rows = jnp.arange(B * C)[:, None]
    out = flat_zeros.at[rows, idx2].set(vals2)
    return out.reshape(B, C, W)

if __name__ == "__main__":
    import jax
    _d = setup_inputs()
    print(jax.jit(kernel)(*tuple(_d.values())))

</pallas_src>

<mosaic_0001>
#map = affine_map<(d0, d1) -> (0, 0)>
#map1 = affine_map<(d0, d1) -> (0)>
module attributes {stable_mosaic.version = 14 : i64} {
  func.func @_sc_thresh(%arg0: i32, %arg1: i32, %arg2: memref<2048x32768xf32, #tpu.memory_space<hbm>>, %arg3: memref<32768xf32, #tpu.memory_space<hbm>>, %arg4: memref<32768xf32, #tpu.memory_space<vmem>>, %arg5: memref<32768xf32, #tpu.memory_space<vmem>>, %arg6: memref<8192xi32, #tpu.memory_space<vmem>>, %arg7: memref<32784xi32, #tpu.memory_space<vmem>>, %arg8: memref<1024xf32, #tpu.memory_space<vmem>>, %arg9: memref<!tpu.dma_semaphore, #tpu.memory_space<semaphore_mem>>, %arg10: memref<!tpu.dma_semaphore, #tpu.memory_space<semaphore_mem>>) attributes {dimension_semantics = [#tpu.dimension_semantics<core_parallel>, #tpu.dimension_semantics<subcore_parallel>], iteration_bounds = array<i64: 2, 16>, scalar_prefetch = 0 : i64, scratch_operands = 7 : i64, tpu.core_type = #tpu.core_type<sc_vector_subcore>, window_params = [{transform_indices = #map}, {transform_indices = #map1}]} {
    %mul3A = arith.constant 2 : i32
    %mul3A_0 = arith.muli %arg1, %mul3A : i32
    %add3A = arith.addi %mul3A_0, %arg0 : i32
    %iota3A = tpu.iota {dimensions = array<i32: 0>} : vector<16xi32>
    %broadcast_in_dim3A = arith.constant 1 : i32
    %broadcast_in_dim3A_1 = vector.broadcast %broadcast_in_dim3A : i32 to vector<16xi32>
    %broadcast_in_dim3A_2 = arith.constant 0 : i32
    %broadcast_in_dim3A_3 = vector.broadcast %broadcast_in_dim3A_2 : i32 to vector<16xi32>
    %mul3A_4 = arith.constant 64 : i32
    %mul3A_5 = arith.muli %add3A, %mul3A_4 : i32
    %dma_start3A = arith.constant 0 : i32
    %dma_start3A_6 = tpu.memref_slice %arg4[%dma_start3A] : memref<32768xf32, #tpu.memory_space<vmem>> -> memref<16384xf32, #tpu.memory_space<vmem>>
    %dma_start3A_7 = arith.constant 0 : i32
    %dma_start3A_8 = tpu.memref_slice %arg2[%mul3A_5, %dma_start3A_7] : memref<2048x32768xf32, #tpu.memory_space<hbm>> -> memref<1x16384xf32, #tpu.memory_space<hbm>>
    %dma_start3A_9 = tpu.memref_squeeze %dma_start3A_8 : memref<1x16384xf32, #tpu.memory_space<hbm>> -> memref<16384xf32, #tpu.memory_space<hbm>>
    %dma_start3A_10 = arith.constant 0 : i32
    %dma_start3A_11 = tpu.memref_slice %arg4[%dma_start3A_10] : memref<32768xf32, #tpu.memory_space<vmem>> -> memref<16384xf32, #tpu.memory_space<vmem>>
    %dma_start3A_12 = arith.constant 0 : i32
    %dma_start3A_13 = tpu.memref_slice %arg2[%mul3A_5, %dma_start3A_12] : memref<2048x32768xf32, #tpu.memory_space<hbm>> -> memref<1x16384xf32, #tpu.memory_space<hbm>>
    %dma_start3A_14 = tpu.memref_squeeze %dma_start3A_13 : memref<1x16384xf32, #tpu.memory_space<hbm>> -> memref<16384xf32, #tpu.memory_space<hbm>>
    tpu.enqueue_dma source(%dma_start3A_14 : memref<16384xf32, #tpu.memory_space<hbm>>) target(%dma_start3A_11 : memref<16384xf32, #tpu.memory_space<vmem>>) target_semaphore(%arg9 : memref<!tpu.dma_semaphore, #tpu.memory_space<semaphore_mem>>)
    %dma_start3A_15 = arith.constant 16384 : i32
    %dma_start3A_16 = tpu.memref_slice %arg4[%dma_start3A_15] : memref<32768xf32, #tpu.memory_space<vmem>> -> memref<16384xf32, #tpu.memory_space<vmem>>
    %dma_start3A_17 = arith.constant 16384 : i32
    %dma_start3A_18 = tpu.memref_slice %arg2[%mul3A_5, %dma_start3A_17] : memref<2048x32768xf32, #tpu.memory_space<hbm>> -> memref<1x16384xf32, #tpu.memory_space<hbm>>
    %dma_start3A_19 = tpu.memref_squeeze %dma_start3A_18 : memref<1x16384xf32, #tpu.memory_space<hbm>> -> memref<16384xf32, #tpu.memory_space<hbm>>
    %dma_start3A_20 = arith.constant 16384 : i32
    %dma_start3A_21 = tpu.memref_slice %arg4[%dma_start3A_20] : memref<32768xf32, #tpu.memory_space<vmem>> -> memref<16384xf32, #tpu.memory_space<vmem>>
    %dma_start3A_22 = arith.constant 16384 : i32
    %dma_start3A_23 = tpu.memref_slice %arg2[%mul3A_5, %dma_start3A_22] : memref<2048x32768xf32, #tpu.memory_space<hbm>> -> memref<1x16384xf32, #tpu.memory_space<hbm>>
    %dma_start3A_24 = tpu.memref_squeeze %dma_start3A_23 : memref<1x16384xf32, #tpu.memory_space<hbm>> -> memref<16384xf32, #tpu.memory_space<hbm>>
    tpu.enqueue_dma source(%dma_start3A_24 : memref<16384xf32, #tpu.memory_space<hbm>>) target(%dma_start3A_21 : memref<16384xf32, #tpu.memory_space<vmem>>) target_semaphore(%arg9 : memref<!tpu.dma_semaphore, #tpu.memory_space<semaphore_mem>>)
    %scan3A = arith.constant 0 : i32
    %scan3A_25 = arith.constant 0 : i32
    %scan3A_26 = arith.constant 32 : i32
    %scan3A_27 = arith.addi %scan3A_25, %scan3A_26 : i32
    %scan3A_28 = arith.constant 1 : i32
    scf.for %scan3A_34 = %scan3A_25 to %scan3A_27 step %scan3A_28  : i32 {
      %mul3A_35 = arith.constant 2 : i32
      %mul3A_36 = arith.muli %mul3A_35, %scan3A_34 : i32
      %add3A_37 = arith.addi %mul3A_5, %mul3A_36 : i32
      %add3A_38 = arith.constant 1 : i32
      %add3A_39 = arith.addi %add3A_37, %add3A_38 : i32
      %dma_start3A_40 = arith.constant 0 : i32
      %dma_start3A_41 = tpu.memref_slice %arg5[%dma_start3A_40] : memref<32768xf32, #tpu.memory_space<vmem>> -> memref<16384xf32, #tpu.memory_space<vmem>>
      %dma_start3A_42 = arith.constant 0 : i32
      %dma_start3A_43 = tpu.memref_slice %arg2[%add3A_39, %dma_start3A_42] : memref<2048x32768xf32, #tpu.memory_space<hbm>> -> memref<1x16384xf32, #tpu.memory_space<hbm>>
      %dma_start3A_44 = tpu.memref_squeeze %dma_start3A_43 : memref<1x16384xf32, #tpu.memory_space<hbm>> -> memref<16384xf32, #tpu.memory_space<hbm>>
      %dma_start3A_45 = arith.constant 0 : i32
      %dma_start3A_46 = tpu.memref_slice %arg5[%dma_start3A_45] : memref<32768xf32, #tpu.memory_space<vmem>> -> memref<16384xf32, #tpu.memory_space<vmem>>
      %dma_start3A_47 = arith.constant 0 : i32
      %dma_start3A_48 = tpu.memref_slice %arg2[%add3A_39, %dma_start3A_47] : memref<2048x32768xf32, #tpu.memory_space<hbm>> -> memref<1x16384xf32, #tpu.memory_space<hbm>>
      %dma_start3A_49 = tpu.memref_squeeze %dma_start3A_48 : memref<1x16384xf32, #tpu.memory_space<hbm>> -> memref<16384xf32, #tpu.memory_space<hbm>>
      tpu.enqueue_dma source(%dma_start3A_49 : memref<16384xf32, #tpu.memory_space<hbm>>) target(%dma_start3A_46 : memref<16384xf32, #tpu.memory_space<vmem>>) target_semaphore(%arg10 : memref<!tpu.dma_semaphore, #tpu.memory_space<semaphore_mem>>)
      %dma_start3A_50 = arith.constant 16384 : i32
      %dma_start3A_51 = tpu.memref_slice %arg5[%dma_start3A_50] : memref<32768xf32, #tpu.memory_space<vmem>> -> memref<16384xf32, #tpu.memory_space<vmem>>
      %dma_start3A_52 = arith.constant 16384 : i32
      %dma_start3A_53 = tpu.memref_slice %arg2[%add3A_39, %dma_start3A_52] : memref<2048x32768xf32, #tpu.memory_space<hbm>> -> memref<1x16384xf32, #tpu.memory_space<hbm>>
      %dma_start3A_54 = tpu.memref_squeeze %dma_start3A_53 : memref<1x16384xf32, #tpu.memory_space<hbm>> -> memref<16384xf32, #tpu.memory_space<hbm>>
      %dma_start3A_55 = arith.constant 16384 : i32
      %dma_start3A_56 = tpu.memref_slice %arg5[%dma_start3A_55] : memref<32768xf32, #tpu.memory_space<vmem>> -> memref<16384xf32, #tpu.memory_space<vmem>>
      %dma_start3A_57 = arith.constant 16384 : i32
      %dma_start3A_58 = tpu.memref_slice %arg2[%add3A_39, %dma_start3A_57] : memref<2048x32768xf32, #tpu.memory_space<hbm>> -> memref<1x16384xf32, #tpu.memory_space<hbm>>
      %dma_start3A_59 = tpu.memref_squeeze %dma_start3A_58 : memref<1x16384xf32, #tpu.memory_space<hbm>> -> memref<16384xf32, #tpu.memory_space<hbm>>
      tpu.enqueue_dma source(%dma_start3A_59 : memref<16384xf32, #tpu.memory_space<hbm>>) target(%dma_start3A_56 : memref<16384xf32, #tpu.memory_space<vmem>>) target_semaphore(%arg10 : memref<!tpu.dma_semaphore, #tpu.memory_space<semaphore_mem>>)
      %dma_wait3A = arith.constant 0 : i32
      %dma_wait3A_60 = tpu.memref_slice %arg4[%dma_wait3A] : memref<32768xf32, #tpu.memory_space<vmem>> -> memref<16384xf32, #tpu.memory_space<vmem>>
      %dma_wait3A_61 = arith.constant 0 : i32
      %dma_wait3A_62 = tpu.memref_slice %arg2[%add3A_37, %dma_wait3A_61] : memref<2048x32768xf32, #tpu.memory_space<hbm>> -> memref<1x16384xf32, #tpu.memory_space<hbm>>
      %dma_wait3A_63 = tpu.memref_squeeze %dma_wait3A_62 : memref<1x16384xf32, #tpu.memory_space<hbm>> -> memref<16384xf32, #tpu.memory_space<hbm>>
      %dma_wait3A_64 = arith.constant 0 : i32
      %dma_wait3A_65 = tpu.memref_slice %arg4[%dma_wait3A_64] : memref<32768xf32, #tpu.memory_space<vmem>> -> memref<16384xf32, #tpu.memory_space<vmem>>
      %dma_wait3A_66 = arith.constant 0 : i32
      %dma_wait3A_67 = tpu.memref_slice %arg2[%add3A_37, %dma_wait3A_66] : memref<2048x32768xf32, #tpu.memory_space<hbm>> -> memref<1x16384xf32, #tpu.memory_space<hbm>>
      %dma_wait3A_68 = tpu.memref_squeeze %dma_wait3A_67 : memref<1x16384xf32, #tpu.memory_space<hbm>> -> memref<16384xf32, #tpu.memory_space<hbm>>
      tpu.wait_dma2 semaphore(%arg9 : memref<!tpu.dma_semaphore, #tpu.memory_space<semaphore_mem>>) src(%dma_wait3A_68 : memref<16384xf32, #tpu.memory_space<hbm>>) dst(%dma_wait3A_65 : memref<16384xf32, #tpu.memory_space<vmem>>)
      %dma_wait3A_69 = arith.constant 16384 : i32
      %dma_wait3A_70 = tpu.memref_slice %arg4[%dma_wait3A_69] : memref<32768xf32, #tpu.memory_space<vmem>> -> memref<16384xf32, #tpu.memory_space<vmem>>
      %dma_wait3A_71 = arith.constant 16384 : i32
      %dma_wait3A_72 = tpu.memref_slice %arg2[%add3A_37, %dma_wait3A_71] : memref<2048x32768xf32, #tpu.memory_space<hbm>> -> memref<1x16384xf32, #tpu.memory_space<hbm>>
      %dma_wait3A_73 = tpu.memref_squeeze %dma_wait3A_72 : memref<1x16384xf32, #tpu.memory_space<hbm>> -> memref<16384xf32, #tpu.memory_space<hbm>>
      %dma_wait3A_74 = arith.constant 16384 : i32
      %dma_wait3A_75 = tpu.memref_slice %arg4[%dma_wait3A_74] : memref<32768xf32, #tpu.memory_space<vmem>> -> memref<16384xf32, #tpu.memory_space<vmem>>
      %dma_wait3A_76 = arith.constant 16384 : i32
      %dma_wait3A_77 = tpu.memref_slice %arg2[%add3A_37, %dma_wait3A_76] : memref<2048x32768xf32, #tpu.memory_space<hbm>> -> memref<1x16384xf32, #tpu.memory_space<hbm>>
      %dma_wait3A_78 = tpu.memref_squeeze %dma_wait3A_77 : memref<1x16384xf32, #tpu.memory_space<hbm>> -> memref<16384xf32, #tpu.memory_space<hbm>>
      tpu.wait_dma2 semaphore(%arg9 : memref<!tpu.dma_semaphore, #tpu.memory_space<semaphore_mem>>) src(%dma_wait3A_78 : memref<16384xf32, #tpu.memory_space<hbm>>) dst(%dma_wait3A_75 : memref<16384xf32, #tpu.memory_space<vmem>>)
      %mul3A_79 = arith.constant 2 : i32
      %mul3A_80 = arith.muli %mul3A_79, %scan3A_34 : i32
      %parallel_loop3A = arith.constant 0 : i32
      %parallel_loop3A_81 = arith.constant 512 : i32
      %parallel_loop3A_82 = arith.constant 1 : i32
      scf.for %parallel_loop3A_195 = %parallel_loop3A to %parallel_loop3A_81 step %parallel_loop3A_82  : i32 {
        %parallel_loop3A_196 = arith.constant 16 : i32
        %parallel_loop3A_197 = arith.muli %parallel_loop3A_195, %parallel_loop3A_196 : i32
        %parallel_loop3A_198 = arith.index_cast %parallel_loop3A_197 : i32 to index
        %parallel_loop3A_199 = tpu.vector_load %arg6[%parallel_loop3A_198] {strides = array<i32>} : memref<8192xi32, #tpu.memory_space<vmem>>, vector<16xi32>,
        tpu.vector_store %arg6[%parallel_loop3A_198], %broadcast_in_dim3A_3 {strides = array<i32>} : memref<8192xi32, #tpu.memory_space<vmem>>, vector<16xi32>,
      } {sc.loop_unroll_factor = 8 : i64, sc.parallel_access}
      %parallel_loop3A_83 = arith.constant 0 : i32
      %parallel_loop3A_84 = arith.constant 2048 : i32
      %parallel_loop3A_85 = arith.constant 1 : i32
      %parallel_loop3A_86 = scf.for %parallel_loop3A_195 = %parallel_loop3A_83 to %parallel_loop3A_84 step %parallel_loop3A_85 iter_args(%parallel_loop3A_196 = %broadcast_in_dim3A_3) -> (vector<16xi32>)  : i32 {
        %parallel_loop3A_197 = arith.constant 16 : i32
        %parallel_loop3A_198 = arith.muli %parallel_loop3A_195, %parallel_loop3A_197 : i32
        %parallel_loop3A_199 = arith.index_cast %parallel_loop3A_198 : i32 to index
        %parallel_loop3A_200 = tpu.vector_load %arg4[%parallel_loop3A_199] {strides = array<i32>} : memref<32768xf32, #tpu.memory_space<vmem>>, vector<16xf32>,
        %parallel_loop3A_201 = vector.bitcast %parallel_loop3A_200 : vector<16xf32> to vector<16xi32>
        %parallel_loop3A_202 = arith.constant 2147483647 : i32
        %parallel_loop3A_203 = vector.broadcast %parallel_loop3A_202 : i32 to vector<16xi32>
        %parallel_loop3A_204 = arith.andi %parallel_loop3A_201, %parallel_loop3A_203 : vector<16xi32>
        %parallel_loop3A_205 = arith.constant 22 : i32
        %parallel_loop3A_206 = vector.broadcast %parallel_loop3A_205 : i32 to vector<16xi32>
        %parallel_loop3A_207 = arith.shrsi %parallel_loop3A_204, %parallel_loop3A_206 : vector<16xi32>
        %parallel_loop3A_208 = arith.constant 4 : i32
        %parallel_loop3A_209 = vector.broadcast %parallel_loop3A_208 : i32 to vector<16xi32>
        %parallel_loop3A_210 = arith.shli %parallel_loop3A_207, %parallel_loop3A_209 : vector<16xi32>
        %parallel_loop3A_211 = arith.addi %parallel_loop3A_210, %iota3A : vector<16xi32>
        tpu.vector_store_idx %arg6[%parallel_loop3A_211], %broadcast_in_dim3A_1 {add = true} : memref<8192xi32, #tpu.memory_space<vmem>>[vector<16xi32>], vector<16xi32>,
        %parallel_loop3A_212 = arith.maxsi %parallel_loop3A_196, %parallel_loop3A_204 : vector<16xi32>
        scf.yield %parallel_loop3A_212 : vector<16xi32>
      } {sc.loop_unroll_factor = 8 : i64, sc.parallel_access}
      %reduce_max3A = arith.constant true
      %reduce_max3A_87 = vector.broadcast %reduce_max3A : i1 to vector<16xi1>
      %reduce_max3A_88 = arith.constant -2147483648 : i32
      %reduce_max3A_89 = vector.broadcast %reduce_max3A_88 : i32 to vector<16xi32>
      %reduce_max3A_90 = arith.xori %parallel_loop3A_86, %reduce_max3A_89 : vector<16xi32>
      %reduce_max3A_91 = tpu.scan <max>, %reduce_max3A_90 masked %reduce_max3A_87 : vector<16xi32>, vector<16xi1> -> vector<16xi32>
      %reduce_max3A_92 = arith.xori %reduce_max3A_91, %reduce_max3A_89 : vector<16xi32>
      %reduce_max3A_93 = vector.extract %reduce_max3A_92[15] : i32 from vector<16xi32>
      %shift_right_arithmetic3A = arith.constant 22 : i32
      %shift_right_arithmetic3A_94 = arith.shrsi %reduce_max3A_93, %shift_right_arithmetic3A : i32
      %while3A = arith.constant 0 : i32
      %while3A_95:2 = scf.while (%while3A_195 = %shift_right_arithmetic3A_94, %while3A_196 = %while3A) : (i32, i32) -> (i32, i32) {
        %mul3A_197 = arith.constant 16 : i32
        %mul3A_198 = arith.muli %while3A_195, %mul3A_197 : i32
        %get3A = arith.index_cast %mul3A_198 : i32 to index
        %get3A_199 = tpu.vector_load %arg6[%get3A] {strides = array<i32>} : memref<8192xi32, #tpu.memory_space<vmem>>, vector<16xi32>,
        %reduce_sum3A = arith.constant true
        %reduce_sum3A_200 = vector.broadcast %reduce_sum3A : i1 to vector<16xi1>
        %reduce_sum3A_201 = tpu.scan <sum>, %get3A_199 masked %reduce_sum3A_200 : vector<16xi32>, vector<16xi1> -> vector<16xi32>
        %reduce_sum3A_202 = vector.extract %reduce_sum3A_201[15] : i32 from vector<16xi32>
        %add3A_203 = arith.addi %while3A_196, %reduce_sum3A_202 : i32
        %lt3A_204 = arith.constant 512 : i32
        %lt3A_205 = arith.cmpi slt, %add3A_203, %lt3A_204 : i32
        scf.condition(%lt3A_205) %while3A_195, %while3A_196 : i32, i32
      } do {
      ^bb0(%while3A_195: i32, %while3A_196: i32):
        %sub3A_197 = arith.constant 1 : i32
        %sub3A_198 = arith.subi %while3A_195, %sub3A_197 : i32
        %mul3A_199 = arith.constant 16 : i32
        %mul3A_200 = arith.muli %while3A_195, %mul3A_199 : i32
        %get3A = arith.index_cast %mul3A_200 : i32 to index
        %get3A_201 = tpu.vector_load %arg6[%get3A] {strides = array<i32>} : memref<8192xi32, #tpu.memory_space<vmem>>, vector<16xi32>,
        %reduce_sum3A = arith.constant true
        %reduce_sum3A_202 = vector.broadcast %reduce_sum3A : i1 to vector<16xi1>
        %reduce_sum3A_203 = tpu.scan <sum>, %get3A_201 masked %reduce_sum3A_202 : vector<16xi32>, vector<16xi1> -> vector<16xi32>
        %reduce_sum3A_204 = vector.extract %reduce_sum3A_203[15] : i32 from vector<16xi32>
        %add3A_205 = arith.addi %while3A_196, %reduce_sum3A_204 : i32
        scf.yield %sub3A_198, %add3A_205 : i32, i32
      }
      %sub3A = arith.constant 512 : i32
      %sub3A_96 = arith.subi %sub3A, %while3A_95#1 : i32
      %parallel_loop3A_97 = arith.constant 0 : i32
      %parallel_loop3A_98 = arith.constant 2048 : i32
      %parallel_loop3A_99 = arith.constant 1 : i32
      %parallel_loop3A_100 = scf.for %parallel_loop3A_195 = %parallel_loop3A_97 to %parallel_loop3A_98 step %parallel_loop3A_99 iter_args(%parallel_loop3A_196 = %broadcast_in_dim3A_3) -> (vector<16xi32>)  : i32 {
        %parallel_loop3A_197 = arith.constant 16 : i32
        %parallel_loop3A_198 = arith.muli %parallel_loop3A_195, %parallel_loop3A_197 : i32
        %parallel_loop3A_199 = arith.index_cast %parallel_loop3A_198 : i32 to index
        %parallel_loop3A_200 = tpu.vector_load %arg4[%parallel_loop3A_199] {strides = array<i32>} : memref<32768xf32, #tpu.memory_space<vmem>>, vector<16xf32>,
        %parallel_loop3A_201 = vector.bitcast %parallel_loop3A_200 : vector<16xf32> to vector<16xi32>
        %parallel_loop3A_202 = arith.constant 2147483647 : i32
        %parallel_loop3A_203 = vector.broadcast %parallel_loop3A_202 : i32 to vector<16xi32>
        %parallel_loop3A_204 = arith.andi %parallel_loop3A_201, %parallel_loop3A_203 : vector<16xi32>
        %parallel_loop3A_205 = arith.constant 22 : i32
        %parallel_loop3A_206 = vector.broadcast %parallel_loop3A_205 : i32 to vector<16xi32>
        %parallel_loop3A_207 = arith.shrsi %parallel_loop3A_204, %parallel_loop3A_206 : vector<16xi32>
        %parallel_loop3A_208 = vector.broadcast %while3A_95#0 : i32 to vector<16xi32>
        %parallel_loop3A_209 = arith.cmpi eq, %parallel_loop3A_207, %parallel_loop3A_208 : vector<16xi32>
        %parallel_loop3A_210 = arith.constant 1 : i32
        %parallel_loop3A_211 = arith.constant 0 : i32
        %parallel_loop3A_212 = vector.broadcast %parallel_loop3A_210 : i32 to vector<16xi32>
        %parallel_loop3A_213 = vector.broadcast %parallel_loop3A_211 : i32 to vector<16xi32>
        %parallel_loop3A_214 = arith.select %parallel_loop3A_209, %parallel_loop3A_212, %parallel_loop3A_213 : vector<16xi1>, vector<16xi32>
        %parallel_loop3A_215 = arith.constant true
        %parallel_loop3A_216 = vector.broadcast %parallel_loop3A_215 : i1 to vector<16xi1>
        %parallel_loop3A_217 = tpu.scan <sum>, %parallel_loop3A_214 masked %parallel_loop3A_216 : vector<16xi32>, vector<16xi1> -> vector<16xi32>
        %parallel_loop3A_218 = arith.addi %parallel_loop3A_196, %parallel_loop3A_217 : vector<16xi32>
        %parallel_loop3A_219 = arith.constant 1 : i32
        %parallel_loop3A_220 = vector.broadcast %parallel_loop3A_219 : i32 to vector<16xi32>
        %parallel_loop3A_221 = arith.subi %parallel_loop3A_218, %parallel_loop3A_220 : vector<16xi32>
        tpu.vector_store_idx %arg7[%parallel_loop3A_221], %parallel_loop3A_204 masked %parallel_loop3A_209 : memref<32784xi32, #tpu.memory_space<vmem>>[vector<16xi32>], vector<16xi32>, vector<16xi1>
        %parallel_loop3A_222 = tpu.all_reduce %parallel_loop3A_209 {dim = 0 : i64, kind = #tpu.reduction_kind<sum>} : vector<16xi1> -> vector<16xi32>
        %parallel_loop3A_223 = arith.addi %parallel_loop3A_196, %parallel_loop3A_222 : vector<16xi32>
        scf.yield %parallel_loop3A_223 : vector<16xi32>
      } {sc.loop_unroll_factor = 8 : i64, sc.parallel_access}
      %slice3A = vector.extract_strided_slice %parallel_loop3A_100 {offsets = [0], sizes = [1], strides = [1]} : vector<16xi32> to vector<1xi32>
      %reshape3A = vector.extract %slice3A[0] : i32 from vector<1xi32>
      %swap3A = arith.index_cast %reshape3A : i32 to index
      %swap3A_101 = tpu.vector_load %arg7[%swap3A] {strides = array<i32>} : memref<32784xi32, #tpu.memory_space<vmem>>, vector<16xi32>,
      tpu.vector_store %arg7[%swap3A], %broadcast_in_dim3A_3 {strides = array<i32>} : memref<32784xi32, #tpu.memory_space<vmem>>, vector<16xi32>,
      %add3A_102 = arith.constant 15 : i32
      %add3A_103 = arith.addi %reshape3A, %add3A_102 : i32
      %shift_right_arithmetic3A_104 = arith.constant 4 : i32
      %shift_right_arithmetic3A_105 = arith.shrsi %add3A_103, %shift_right_arithmetic3A_104 : i32
      %shift_left3A = arith.constant 22 : i32
      %shift_left3A_106 = arith.shli %while3A_95#0, %shift_left3A : i32
      %scan3A_107 = arith.constant 0 : i32
      %scan3A_108 = arith.constant 22 : i32
      %scan3A_109 = arith.addi %scan3A_107, %scan3A_108 : i32
      %scan3A_110 = arith.constant 1 : i32
      %scan3A_111 = scf.for %scan3A_195 = %scan3A_107 to %scan3A_109 step %scan3A_110 iter_args(%scan3A_196 = %shift_left3A_106) -> (i32)  : i32 {
        %sub3A_197 = arith.constant 21 : i32
        %sub3A_198 = arith.subi %sub3A_197, %scan3A_195 : i32
        %shift_left3A_199 = arith.constant 1 : i32
        %shift_left3A_200 = arith.shli %shift_left3A_199, %sub3A_198 : i32
        %or3A = arith.ori %scan3A_196, %shift_left3A_200 : i32
        %parallel_loop3A_201 = arith.constant 0 : i32
        %parallel_loop3A_202 = arith.constant 1 : i32
        %parallel_loop3A_203 = scf.for %parallel_loop3A_207 = %parallel_loop3A_201 to %shift_right_arithmetic3A_105 step %parallel_loop3A_202 iter_args(%parallel_loop3A_208 = %broadcast_in_dim3A_3) -> (vector<16xi32>)  : i32 {
          %parallel_loop3A_209 = arith.constant 16 : i32
          %parallel_loop3A_210 = arith.muli %parallel_loop3A_207, %parallel_loop3A_209 : i32
          %parallel_loop3A_211 = arith.index_cast %parallel_loop3A_210 : i32 to index
          %parallel_loop3A_212 = tpu.vector_load %arg7[%parallel_loop3A_211] {strides = array<i32>} : memref<32784xi32, #tpu.memory_space<vmem>>, vector<16xi32>,
          %parallel_loop3A_213 = vector.broadcast %or3A : i32 to vector<16xi32>
          %parallel_loop3A_214 = arith.cmpi sge, %parallel_loop3A_212, %parallel_loop3A_213 : vector<16xi32>
          %parallel_loop3A_215 = arith.constant 1 : i32
          %parallel_loop3A_216 = arith.constant 0 : i32
          %parallel_loop3A_217 = vector.broadcast %parallel_loop3A_215 : i32 to vector<16xi32>
          %parallel_loop3A_218 = vector.broadcast %parallel_loop3A_216 : i32 to vector<16xi32>
          %parallel_loop3A_219 = arith.select %parallel_loop3A_214, %parallel_loop3A_217, %parallel_loop3A_218 : vector<16xi1>, vector<16xi32>
          %parallel_loop3A_220 = arith.addi %parallel_loop3A_208, %parallel_loop3A_219 : vector<16xi32>
          scf.yield %parallel_loop3A_220 : vector<16xi32>
        } {sc.loop_unroll_factor = 4 : i64, sc.parallel_access}
        %reduce_sum3A = arith.constant true
        %reduce_sum3A_204 = vector.broadcast %reduce_sum3A : i1 to vector<16xi1>
        %reduce_sum3A_205 = tpu.scan <sum>, %parallel_loop3A_203 masked %reduce_sum3A_204 : vector<16xi32>, vector<16xi1> -> vector<16xi32>
        %reduce_sum3A_206 = vector.extract %reduce_sum3A_205[15] : i32 from vector<16xi32>
        %ge3A = arith.cmpi sge, %reduce_sum3A_206, %sub3A_96 : i32
        %select_n3A = arith.select %ge3A, %or3A, %scan3A_196 : i32
        scf.yield %select_n3A : i32
      }
      %scan3A_112 = arith.constant 22 : i32
      %add3A_113 = vector.broadcast %scan3A_111 : i32 to vector<16xi32>
      %add3A_114 = arith.addi %broadcast_in_dim3A_3, %add3A_113 : vector<16xi32>
      %bitcast3A = vector.bitcast %add3A_114 : vector<16xi32> to vector<16xf32>
      %mul3A_115 = arith.constant 16 : i32
      %mul3A_116 = arith.muli %mul3A_80, %mul3A_115 : i32
      %swap3A_117 = arith.index_cast %mul3A_116 : i32 to index
      %swap3A_118 = tpu.vector_load %arg8[%swap3A_117] {strides = array<i32>} : memref<1024xf32, #tpu.memory_space<vmem>>, vector<16xf32>,
      tpu.vector_store %arg8[%swap3A_117], %bitcast3A {strides = array<i32>} : memref<1024xf32, #tpu.memory_space<vmem>>, vector<16xf32>,
      %lt3A = arith.constant 31 : i32
      %lt3A_119 = arith.cmpi slt, %scan3A_34, %lt3A : i32
      %convert_element_type3A = arith.extui %lt3A_119 : i1 to i32
      %cond3A = arith.constant 0 : i32
      %cond3A_120 = arith.cmpi ne, %convert_element_type3A, %cond3A : i32
      scf.if %cond3A_120 {
        %add3A_195 = arith.constant 2 : i32
        %add3A_196 = arith.addi %add3A_37, %add3A_195 : i32
        %dma_start3A_197 = arith.constant 0 : i32
        %dma_start3A_198 = tpu.memref_slice %arg4[%dma_start3A_197] : memref<32768xf32, #tpu.memory_space<vmem>> -> memref<16384xf32, #tpu.memory_space<vmem>>
        %dma_start3A_199 = arith.constant 0 : i32
        %dma_start3A_200 = tpu.memref_slice %arg2[%add3A_196, %dma_start3A_199] : memref<2048x32768xf32, #tpu.memory_space<hbm>> -> memref<1x16384xf32, #tpu.memory_space<hbm>>
        %dma_start3A_201 = tpu.memref_squeeze %dma_start3A_200 : memref<1x16384xf32, #tpu.memory_space<hbm>> -> memref<16384xf32, #tpu.memory_space<hbm>>
        %dma_start3A_202 = arith.constant 0 : i32
        %dma_start3A_203 = tpu.memref_slice %arg4[%dma_start3A_202] : memref<32768xf32, #tpu.memory_space<vmem>> -> memref<16384xf32, #tpu.memory_space<vmem>>
        %dma_start3A_204 = arith.constant 0 : i32
        %dma_start3A_205 = tpu.memref_slice %arg2[%add3A_196, %dma_start3A_204] : memref<2048x32768xf32, #tpu.memory_space<hbm>> -> memref<1x16384xf32, #tpu.memory_space<hbm>>
        %dma_start3A_206 = tpu.memref_squeeze %dma_start3A_205 : memref<1x16384xf32, #tpu.memory_space<hbm>> -> memref<16384xf32, #tpu.memory_space<hbm>>
        tpu.enqueue_dma source(%dma_start3A_206 : memref<16384xf32, #tpu.memory_space<hbm>>) target(%dma_start3A_203 : memref<16384xf32, #tpu.memory_space<vmem>>) target_semaphore(%arg9 : memref<!tpu.dma_semaphore, #tpu.memory_space<semaphore_mem>>)
        %dma_start3A_207 = arith.constant 16384 : i32
        %dma_start3A_208 = tpu.memref_slice %arg4[%dma_start3A_207] : memref<32768xf32, #tpu.memory_space<vmem>> -> memref<16384xf32, #tpu.memory_space<vmem>>
        %dma_start3A_209 = arith.constant 16384 : i32
        %dma_start3A_210 = tpu.memref_slice %arg2[%add3A_196, %dma_start3A_209] : memref<2048x32768xf32, #tpu.memory_space<hbm>> -> memref<1x16384xf32, #tpu.memory_space<hbm>>
        %dma_start3A_211 = tpu.memref_squeeze %dma_start3A_210 : memref<1x16384xf32, #tpu.memory_space<hbm>> -> memref<16384xf32, #tpu.memory_space<hbm>>
        %dma_start3A_212 = arith.constant 16384 : i32
        %dma_start3A_213 = tpu.memref_slice %arg4[%dma_start3A_212] : memref<32768xf32, #tpu.memory_space<vmem>> -> memref<16384xf32, #tpu.memory_space<vmem>>
        %dma_start3A_214 = arith.constant 16384 : i32
        %dma_start3A_215 = tpu.memref_slice %arg2[%add3A_196, %dma_start3A_214] : memref<2048x32768xf32, #tpu.memory_space<hbm>> -> memref<1x16384xf32, #tpu.memory_space<hbm>>
        %dma_start3A_216 = tpu.memref_squeeze %dma_start3A_215 : memref<1x16384xf32, #tpu.memory_space<hbm>> -> memref<16384xf32, #tpu.memory_space<hbm>>
        tpu.enqueue_dma source(%dma_start3A_216 : memref<16384xf32, #tpu.memory_space<hbm>>) target(%dma_start3A_213 : memref<16384xf32, #tpu.memory_space<vmem>>) target_semaphore(%arg9 : memref<!tpu.dma_semaphore, #tpu.memory_space<semaphore_mem>>)
      } else {
      }
      %add3A_121 = arith.constant 1 : i32
      %add3A_122 = arith.addi %add3A_37, %add3A_121 : i32
      %dma_wait3A_123 = arith.constant 0 : i32
      %dma_wait3A_124 = tpu.memref_slice %arg5[%dma_wait3A_123] : memref<32768xf32, #tpu.memory_space<vmem>> -> memref<16384xf32, #tpu.memory_space<vmem>>
      %dma_wait3A_125 = arith.constant 0 : i32
      %dma_wait3A_126 = tpu.memref_slice %arg2[%add3A_122, %dma_wait3A_125] : memref<2048x32768xf32, #tpu.memory_space<hbm>> -> memref<1x16384xf32, #tpu.memory_space<hbm>>
      %dma_wait3A_127 = tpu.memref_squeeze %dma_wait3A_126 : memref<1x16384xf32, #tpu.memory_space<hbm>> -> memref<16384xf32, #tpu.memory_space<hbm>>
      %dma_wait3A_128 = arith.constant 0 : i32
      %dma_wait3A_129 = tpu.memref_slice %arg5[%dma_wait3A_128] : memref<32768xf32, #tpu.memory_space<vmem>> -> memref<16384xf32, #tpu.memory_space<vmem>>
      %dma_wait3A_130 = arith.constant 0 : i32
      %dma_wait3A_131 = tpu.memref_slice %arg2[%add3A_122, %dma_wait3A_130] : memref<2048x32768xf32, #tpu.memory_space<hbm>> -> memref<1x16384xf32, #tpu.memory_space<hbm>>
      %dma_wait3A_132 = tpu.memref_squeeze %dma_wait3A_131 : memref<1x16384xf32, #tpu.memory_space<hbm>> -> memref<16384xf32, #tpu.memory_space<hbm>>
      tpu.wait_dma2 semaphore(%arg10 : memref<!tpu.dma_semaphore, #tpu.memory_space<semaphore_mem>>) src(%dma_wait3A_132 : memref<16384xf32, #tpu.memory_space<hbm>>) dst(%dma_wait3A_129 : memref<16384xf32, #tpu.memory_space<vmem>>)
      %dma_wait3A_133 = arith.constant 16384 : i32
      %dma_wait3A_134 = tpu.memref_slice %arg5[%dma_wait3A_133] : memref<32768xf32, #tpu.memory_space<vmem>> -> memref<16384xf32, #tpu.memory_space<vmem>>
      %dma_wait3A_135 = arith.constant 16384 : i32
      %dma_wait3A_136 = tpu.memref_slice %arg2[%add3A_122, %dma_wait3A_135] : memref<2048x32768xf32, #tpu.memory_space<hbm>> -> memref<1x16384xf32, #tpu.memory_space<hbm>>
      %dma_wait3A_137 = tpu.memref_squeeze %dma_wait3A_136 : memref<1x16384xf32, #tpu.memory_space<hbm>> -> memref<16384xf32, #tpu.memory_space<hbm>>
      %dma_wait3A_138 = arith.constant 16384 : i32
      %dma_wait3A_139 = tpu.memref_slice %arg5[%dma_wait3A_138] : memref<32768xf32, #tpu.memory_space<vmem>> -> memref<16384xf32, #tpu.memory_space<vmem>>
      %dma_wait3A_140 = arith.constant 16384 : i32
      %dma_wait3A_141 = tpu.memref_slice %arg2[%add3A_122, %dma_wait3A_140] : memref<2048x32768xf32, #tpu.memory_space<hbm>> -> memref<1x16384xf32, #tpu.memory_space<hbm>>
      %dma_wait3A_142 = tpu.memref_squeeze %dma_wait3A_141 : memref<1x16384xf32, #tpu.memory_space<hbm>> -> memref<16384xf32, #tpu.memory_space<hbm>>
      tpu.wait_dma2 semaphore(%arg10 : memref<!tpu.dma_semaphore, #tpu.memory_space<semaphore_mem>>) src(%dma_wait3A_142 : memref<16384xf32, #tpu.memory_space<hbm>>) dst(%dma_wait3A_139 : memref<16384xf32, #tpu.memory_space<vmem>>)
      %mul3A_143 = arith.constant 2 : i32
      %mul3A_144 = arith.muli %mul3A_143, %scan3A_34 : i32
      %add3A_145 = arith.constant 1 : i32
      %add3A_146 = arith.addi %mul3A_144, %add3A_145 : i32
      %parallel_loop3A_147 = arith.constant 0 : i32
      %parallel_loop3A_148 = arith.constant 512 : i32
      %parallel_loop3A_149 = arith.constant 1 : i32
      scf.for %parallel_loop3A_195 = %parallel_loop3A_147 to %parallel_loop3A_148 step %parallel_loop3A_149  : i32 {
        %parallel_loop3A_196 = arith.constant 16 : i32
        %parallel_loop3A_197 = arith.muli %parallel_loop3A_195, %parallel_loop3A_196 : i32
        %parallel_loop3A_198 = arith.index_cast %parallel_loop3A_197 : i32 to index
        %parallel_loop3A_199 = tpu.vector_load %arg6[%parallel_loop3A_198] {strides = array<i32>} : memref<8192xi32, #tpu.memory_space<vmem>>, vector<16xi32>,
        tpu.vector_store %arg6[%parallel_loop3A_198], %broadcast_in_dim3A_3 {strides = array<i32>} : memref<8192xi32, #tpu.memory_space<vmem>>, vector<16xi32>,
      } {sc.loop_unroll_factor = 8 : i64, sc.parallel_access}
      %parallel_loop3A_150 = arith.constant 0 : i32
      %parallel_loop3A_151 = arith.constant 2048 : i32
      %parallel_loop3A_152 = arith.constant 1 : i32
      %parallel_loop3A_153 = scf.for %parallel_loop3A_195 = %parallel_loop3A_150 to %parallel_loop3A_151 step %parallel_loop3A_152 iter_args(%parallel_loop3A_196 = %broadcast_in_dim3A_3) -> (vector<16xi32>)  : i32 {
        %parallel_loop3A_197 = arith.constant 16 : i32
        %parallel_loop3A_198 = arith.muli %parallel_loop3A_195, %parallel_loop3A_197 : i32
        %parallel_loop3A_199 = arith.index_cast %parallel_loop3A_198 : i32 to index
        %parallel_loop3A_200 = tpu.vector_load %arg5[%parallel_loop3A_199] {strides = array<i32>} : memref<32768xf32, #tpu.memory_space<vmem>>, vector<16xf32>,
        %parallel_loop3A_201 = vector.bitcast %parallel_loop3A_200 : vector<16xf32> to vector<16xi32>
        %parallel_loop3A_202 = arith.constant 2147483647 : i32
        %parallel_loop3A_203 = vector.broadcast %parallel_loop3A_202 : i32 to vector<16xi32>
        %parallel_loop3A_204 = arith.andi %parallel_loop3A_201, %parallel_loop3A_203 : vector<16xi32>
        %parallel_loop3A_205 = arith.constant 22 : i32
        %parallel_loop3A_206 = vector.broadcast %parallel_loop3A_205 : i32 to vector<16xi32>
        %parallel_loop3A_207 = arith.shrsi %parallel_loop3A_204, %parallel_loop3A_206 : vector<16xi32>
        %parallel_loop3A_208 = arith.constant 4 : i32
        %parallel_loop3A_209 = vector.broadcast %parallel_loop3A_208 : i32 to vector<16xi32>
        %parallel_loop3A_210 = arith.shli %parallel_loop3A_207, %parallel_loop3A_209 : vector<16xi32>
        %parallel_loop3A_211 = arith.addi %parallel_loop3A_210, %iota3A : vector<16xi32>
        tpu.vector_store_idx %arg6[%parallel_loop3A_211], %broadcast_in_dim3A_1 {add = true} : memref<8192xi32, #tpu.memory_space<vmem>>[vector<16xi32>], vector<16xi32>,
        %parallel_loop3A_212 = arith.maxsi %parallel_loop3A_196, %parallel_loop3A_204 : vector<16xi32>
        scf.yield %parallel_loop3A_212 : vector<16xi32>
      } {sc.loop_unroll_factor = 8 : i64, sc.parallel_access}
      %reduce_max3A_154 = arith.constant true
      %reduce_max3A_155 = vector.broadcast %reduce_max3A_154 : i1 to vector<16xi1>
      %reduce_max3A_156 = arith.constant -2147483648 : i32
      %reduce_max3A_157 = vector.broadcast %reduce_max3A_156 : i32 to vector<16xi32>
      %reduce_max3A_158 = arith.xori %parallel_loop3A_153, %reduce_max3A_157 : vector<16xi32>
      %reduce_max3A_159 = tpu.scan <max>, %reduce_max3A_158 masked %reduce_max3A_155 : vector<16xi32>, vector<16xi1> -> vector<16xi32>
      %reduce_max3A_160 = arith.xori %reduce_max3A_159, %reduce_max3A_157 : vector<16xi32>
      %reduce_max3A_161 = vector.extract %reduce_max3A_160[15] : i32 from vector<16xi32>
      %shift_right_arithmetic3A_162 = arith.constant 22 : i32
      %shift_right_arithmetic3A_163 = arith.shrsi %reduce_max3A_161, %shift_right_arithmetic3A_162 : i32
      %while3A_164 = arith.constant 0 : i32
      %while3A_165:2 = scf.while (%while3A_195 = %shift_right_arithmetic3A_163, %while3A_196 = %while3A_164) : (i32, i32) -> (i32, i32) {
        %mul3A_197 = arith.constant 16 : i32
        %mul3A_198 = arith.muli %while3A_195, %mul3A_197 : i32
        %get3A = arith.index_cast %mul3A_198 : i32 to index
        %get3A_199 = tpu.vector_load %arg6[%get3A] {strides = array<i32>} : memref<8192xi32, #tpu.memory_space<vmem>>, vector<16xi32>,
        %reduce_sum3A = arith.constant true
        %reduce_sum3A_200 = vector.broadcast %reduce_sum3A : i1 to vector<16xi1>
        %reduce_sum3A_201 = tpu.scan <sum>, %get3A_199 masked %reduce_sum3A_200 : vector<16xi32>, vector<16xi1> -> vector<16xi32>
        %reduce_sum3A_202 = vector.extract %reduce_sum3A_201[15] : i32 from vector<16xi32>
        %add3A_203 = arith.addi %while3A_196, %reduce_sum3A_202 : i32
        %lt3A_204 = arith.constant 512 : i32
        %lt3A_205 = arith.cmpi slt, %add3A_203, %lt3A_204 : i32
        scf.condition(%lt3A_205) %while3A_195, %while3A_196 : i32, i32
      } do {
      ^bb0(%while3A_195: i32, %while3A_196: i32):
        %sub3A_197 = arith.constant 1 : i32
        %sub3A_198 = arith.subi %while3A_195, %sub3A_197 : i32
        %mul3A_199 = arith.constant 16 : i32
        %mul3A_200 = arith.muli %while3A_195, %mul3A_199 : i32
        %get3A = arith.index_cast %mul3A_200 : i32 to index
        %get3A_201 = tpu.vector_load %arg6[%get3A] {strides = array<i32>} : memref<8192xi32, #tpu.memory_space<vmem>>, vector<16xi32>,
        %reduce_sum3A = arith.constant true
        %reduce_sum3A_202 = vector.broadcast %reduce_sum3A : i1 to vector<16xi1>
        %reduce_sum3A_203 = tpu.scan <sum>, %get3A_201 masked %reduce_sum3A_202 : vector<16xi32>, vector<16xi1> -> vector<16xi32>
        %reduce_sum3A_204 = vector.extract %reduce_sum3A_203[15] : i32 from vector<16xi32>
        %add3A_205 = arith.addi %while3A_196, %reduce_sum3A_204 : i32
        scf.yield %sub3A_198, %add3A_205 : i32, i32
      }
      %sub3A_166 = arith.constant 512 : i32
      %sub3A_167 = arith.subi %sub3A_166, %while3A_165#1 : i32
      %parallel_loop3A_168 = arith.constant 0 : i32
      %parallel_loop3A_169 = arith.constant 2048 : i32
      %parallel_loop3A_170 = arith.constant 1 : i32
      %parallel_loop3A_171 = scf.for %parallel_loop3A_195 = %parallel_loop3A_168 to %parallel_loop3A_169 step %parallel_loop3A_170 iter_args(%parallel_loop3A_196 = %broadcast_in_dim3A_3) -> (vector<16xi32>)  : i32 {
        %parallel_loop3A_197 = arith.constant 16 : i32
        %parallel_loop3A_198 = arith.muli %parallel_loop3A_195, %parallel_loop3A_197 : i32
        %parallel_loop3A_199 = arith.index_cast %parallel_loop3A_198 : i32 to index
        %parallel_loop3A_200 = tpu.vector_load %arg5[%parallel_loop3A_199] {strides = array<i32>} : memref<32768xf32, #tpu.memory_space<vmem>>, vector<16xf32>,
        %parallel_loop3A_201 = vector.bitcast %parallel_loop3A_200 : vector<16xf32> to vector<16xi32>
        %parallel_loop3A_202 = arith.constant 2147483647 : i32
        %parallel_loop3A_203 = vector.broadcast %parallel_loop3A_202 : i32 to vector<16xi32>
        %parallel_loop3A_204 = arith.andi %parallel_loop3A_201, %parallel_loop3A_203 : vector<16xi32>
        %parallel_loop3A_205 = arith.constant 22 : i32
        %parallel_loop3A_206 = vector.broadcast %parallel_loop3A_205 : i32 to vector<16xi32>
        %parallel_loop3A_207 = arith.shrsi %parallel_loop3A_204, %parallel_loop3A_206 : vector<16xi32>
        %parallel_loop3A_208 = vector.broadcast %while3A_165#0 : i32 to vector<16xi32>
        %parallel_loop3A_209 = arith.cmpi eq, %parallel_loop3A_207, %parallel_loop3A_208 : vector<16xi32>
        %parallel_loop3A_210 = arith.constant 1 : i32
        %parallel_loop3A_211 = arith.constant 0 : i32
        %parallel_loop3A_212 = vector.broadcast %parallel_loop3A_210 : i32 to vector<16xi32>
        %parallel_loop3A_213 = vector.broadcast %parallel_loop3A_211 : i32 to vector<16xi32>
        %parallel_loop3A_214 = arith.select %parallel_loop3A_209, %parallel_loop3A_212, %parallel_loop3A_213 : vector<16xi1>, vector<16xi32>
        %parallel_loop3A_215 = arith.constant true
        %parallel_loop3A_216 = vector.broadcast %parallel_loop3A_215 : i1 to vector<16xi1>
        %parallel_loop3A_217 = tpu.scan <sum>, %parallel_loop3A_214 masked %parallel_loop3A_216 : vector<16xi32>, vector<16xi1> -> vector<16xi32>
        %parallel_loop3A_218 = arith.addi %parallel_loop3A_196, %parallel_loop3A_217 : vector<16xi32>
        %parallel_loop3A_219 = arith.constant 1 : i32
        %parallel_loop3A_220 = vector.broadcast %parallel_loop3A_219 : i32 to vector<16xi32>
        %parallel_loop3A_221 = arith.subi %parallel_loop3A_218, %parallel_loop3A_220 : vector<16xi32>
        tpu.vector_store_idx %arg7[%parallel_loop3A_221], %parallel_loop3A_204 masked %parallel_loop3A_209 : memref<32784xi32, #tpu.memory_space<vmem>>[vector<16xi32>], vector<16xi32>, vector<16xi1>
        %parallel_loop3A_222 = tpu.all_reduce %parallel_loop3A_209 {dim = 0 : i64, kind = #tpu.reduction_kind<sum>} : vector<16xi1> -> vector<16xi32>
        %parallel_loop3A_223 = arith.addi %parallel_loop3A_196, %parallel_loop3A_222 : vector<16xi32>
        scf.yield %parallel_loop3A_223 : vector<16xi32>
      } {sc.loop_unroll_factor = 8 : i64, sc.parallel_access}
      %slice3A_172 = vector.extract_strided_slice %parallel_loop3A_171 {offsets = [0], sizes = [1], strides = [1]} : vector<16xi32> to vector<1xi32>
      %reshape3A_173 = vector.extract %slice3A_172[0] : i32 from vector<1xi32>
      %swap3A_174 = arith.index_cast %reshape3A_173 : i32 to index
      %swap3A_175 = tpu.vector_load %arg7[%swap3A_174] {strides = array<i32>} : memref<32784xi32, #tpu.memory_space<vmem>>, vector<16xi32>,
      tpu.vector_store %arg7[%swap3A_174], %broadcast_in_dim3A_3 {strides = array<i32>} : memref<32784xi32, #tpu.memory_space<vmem>>, vector<16xi32>,
      %add3A_176 = arith.constant 15 : i32
      %add3A_177 = arith.addi %reshape3A_173, %add3A_176 : i32
      %shift_right_arithmetic3A_178 = arith.constant 4 : i32
      %shift_right_arithmetic3A_179 = arith.shrsi %add3A_177, %shift_right_arithmetic3A_178 : i32
      %shift_left3A_180 = arith.constant 22 : i32
      %shift_left3A_181 = arith.shli %while3A_165#0, %shift_left3A_180 : i32
      %scan3A_182 = arith.constant 0 : i32
      %scan3A_183 = arith.constant 22 : i32
      %scan3A_184 = arith.addi %scan3A_182, %scan3A_183 : i32
      %scan3A_185 = arith.constant 1 : i32
      %scan3A_186 = scf.for %scan3A_195 = %scan3A_182 to %scan3A_184 step %scan3A_185 iter_args(%scan3A_196 = %shift_left3A_181) -> (i32)  : i32 {
        %sub3A_197 = arith.constant 21 : i32
        %sub3A_198 = arith.subi %sub3A_197, %scan3A_195 : i32
        %shift_left3A_199 = arith.constant 1 : i32
        %shift_left3A_200 = arith.shli %shift_left3A_199, %sub3A_198 : i32
        %or3A = arith.ori %scan3A_196, %shift_left3A_200 : i32
        %parallel_loop3A_201 = arith.constant 0 : i32
        %parallel_loop3A_202 = arith.constant 1 : i32
        %parallel_loop3A_203 = scf.for %parallel_loop3A_207 = %parallel_loop3A_201 to %shift_right_arithmetic3A_179 step %parallel_loop3A_202 iter_args(%parallel_loop3A_208 = %broadcast_in_dim3A_3) -> (vector<16xi32>)  : i32 {
          %parallel_loop3A_209 = arith.constant 16 : i32
          %parallel_loop3A_210 = arith.muli %parallel_loop3A_207, %parallel_loop3A_209 : i32
          %parallel_loop3A_211 = arith.index_cast %parallel_loop3A_210 : i32 to index
          %parallel_loop3A_212 = tpu.vector_load %arg7[%parallel_loop3A_211] {strides = array<i32>} : memref<32784xi32, #tpu.memory_space<vmem>>, vector<16xi32>,
          %parallel_loop3A_213 = vector.broadcast %or3A : i32 to vector<16xi32>
          %parallel_loop3A_214 = arith.cmpi sge, %parallel_loop3A_212, %parallel_loop3A_213 : vector<16xi32>
          %parallel_loop3A_215 = arith.constant 1 : i32
          %parallel_loop3A_216 = arith.constant 0 : i32
          %parallel_loop3A_217 = vector.broadcast %parallel_loop3A_215 : i32 to vector<16xi32>
          %parallel_loop3A_218 = vector.broadcast %parallel_loop3A_216 : i32 to vector<16xi32>
          %parallel_loop3A_219 = arith.select %parallel_loop3A_214, %parallel_loop3A_217, %parallel_loop3A_218 : vector<16xi1>, vector<16xi32>
          %parallel_loop3A_220 = arith.addi %parallel_loop3A_208, %parallel_loop3A_219 : vector<16xi32>
          scf.yield %parallel_loop3A_220 : vector<16xi32>
        } {sc.loop_unroll_factor = 4 : i64, sc.parallel_access}
        %reduce_sum3A = arith.constant true
        %reduce_sum3A_204 = vector.broadcast %reduce_sum3A : i1 to vector<16xi1>
        %reduce_sum3A_205 = tpu.scan <sum>, %parallel_loop3A_203 masked %reduce_sum3A_204 : vector<16xi32>, vector<16xi1> -> vector<16xi32>
        %reduce_sum3A_206 = vector.extract %reduce_sum3A_205[15] : i32 from vector<16xi32>
        %ge3A = arith.cmpi sge, %reduce_sum3A_206, %sub3A_167 : i32
        %select_n3A = arith.select %ge3A, %or3A, %scan3A_196 : i32
        scf.yield %select_n3A : i32
      }
      %scan3A_187 = arith.constant 22 : i32
      %add3A_188 = vector.broadcast %scan3A_186 : i32 to vector<16xi32>
      %add3A_189 = arith.addi %broadcast_in_dim3A_3, %add3A_188 : vector<16xi32>
      %bitcast3A_190 = vector.bitcast %add3A_189 : vector<16xi32> to vector<16xf32>
      %mul3A_191 = arith.constant 16 : i32
      %mul3A_192 = arith.muli %add3A_146, %mul3A_191 : i32
      %swap3A_193 = arith.index_cast %mul3A_192 : i32 to index
      %swap3A_194 = tpu.vector_load %arg8[%swap3A_193] {strides = array<i32>} : memref<1024xf32, #tpu.memory_space<vmem>>, vector<16xf32>,
      tpu.vector_store %arg8[%swap3A_193], %bitcast3A_190 {strides = array<i32>} : memref<1024xf32, #tpu.memory_space<vmem>>, vector<16xf32>,
    }
    %scan3A_29 = arith.constant 32 : i32
    %mul3A_30 = arith.constant 64 : i32
    %mul3A_31 = arith.muli %add3A, %mul3A_30 : i32
    %mul3A_32 = arith.constant 16 : i32
    %mul3A_33 = arith.muli %mul3A_31, %mul3A_32 : i32
    "tpu.region"() ({
      %run_scoped3A = tpu.sem_alloc : memref<!tpu.dma_semaphore, #tpu.memory_space<semaphore_mem>>
      %dma_start3A_34 = tpu.memref_slice %arg3[%mul3A_33] : memref<32768xf32, #tpu.memory_space<hbm>> -> memref<1024xf32, #tpu.memory_space<hbm>>
      %dma_start3A_35 = tpu.memref_slice %arg3[%mul3A_33] : memref<32768xf32, #tpu.memory_space<hbm>> -> memref<1024xf32, #tpu.memory_space<hbm>>
      tpu.enqueue_dma source(%arg8 : memref<1024xf32, #tpu.memory_space<vmem>>) target(%dma_start3A_35 : memref<1024xf32, #tpu.memory_space<hbm>>) target_semaphore(%run_scoped3A : memref<!tpu.dma_semaphore, #tpu.memory_space<semaphore_mem>>)
      %dma_wait3A = tpu.memref_slice %arg3[%mul3A_33] : memref<32768xf32, #tpu.memory_space<hbm>> -> memref<1024xf32, #tpu.memory_space<hbm>>
      %dma_wait3A_36 = tpu.memref_slice %arg3[%mul3A_33] : memref<32768xf32, #tpu.memory_space<hbm>> -> memref<1024xf32, #tpu.memory_space<hbm>>
      tpu.wait_dma2 semaphore(%run_scoped3A : memref<!tpu.dma_semaphore, #tpu.memory_space<semaphore_mem>>) src(%arg8 : memref<1024xf32, #tpu.memory_space<vmem>>) dst(%dma_wait3A_36 : memref<1024xf32, #tpu.memory_space<hbm>>)
      tpu.yield
    }) : () -> ()
    return
  }
}

module attributes {stable_mosaic.version = 14 : i64} {
  func.func @_tc_mask(%arg0: i32, %arg1: memref<32x32768xf32, #tpu.memory_space<vmem>>, %arg2: memref<32x1xf32, #tpu.memory_space<vmem>>, %arg3: memref<32x32768xf32, #tpu.memory_space<vmem>>) attributes {dimension_semantics = [#tpu.dimension_semantics<arbitrary>], iteration_bounds = array<i64: 64>, scalar_prefetch = 0 : i64, scratch_operands = 0 : i64, tpu.core_type = #tpu.core_type<tc>, window_params = [{transform_indices = @transform_0, window_bounds = array<i64: 32, 32768>}, {transform_indices = @transform_1, window_bounds = array<i64: 32, 1>}, {transform_indices = @transform_2, window_bounds = array<i64: 32, 32768>}]} {
    %get3A = arith.constant 0 : index
    %get3A_0 = arith.constant 0 : index
    %get3A_1 = vector.load %arg1[%get3A, %get3A_0] : memref<32x32768xf32, #tpu.memory_space<vmem>>, vector<32x32768xf32>
    %abs3A = math.absf %get3A_1 : vector<32x32768xf32>
    %get3A_2 = arith.constant 0 : index
    %get3A_3 = arith.constant 0 : index
    %get3A_4 = vector.load %arg2[%get3A_2, %get3A_3] : memref<32x1xf32, #tpu.memory_space<vmem>>, vector<32x1xf32>
    %ge3A = vector.broadcast %get3A_4 : vector<32x1xf32> to vector<32x32768xf32>
    %ge3A_5 = arith.cmpf oge, %abs3A, %ge3A : vector<32x32768xf32>
    %jit3A = arith.constant 0.000000e+00 : f32
    %broadcast_in_dim3A = vector.broadcast %jit3A : f32 to vector<32x32768xf32>
    %select_n3A = arith.select %ge3A_5, %get3A_1, %broadcast_in_dim3A : vector<32x32768xi1>, vector<32x32768xf32>
    %swap3A = arith.constant 0 : index
    %swap3A_6 = arith.constant 0 : index
    %swap3A_7 = vector.load %arg3[%swap3A, %swap3A_6] : memref<32x32768xf32, #tpu.memory_space<vmem>>, vector<32x32768xf32>
    tpu.vector_store %arg3[%swap3A, %swap3A_6], %select_n3A {strides = array<i32>} : memref<32x32768xf32, #tpu.memory_space<vmem>>, vector<32x32768xf32>,
    return
  }
  func.func @transform_0(%arg0: i32) -> (i32, i32) {
    %c0_i32 = arith.constant 0 : i32
    %c0_i32_0 = arith.constant 0 : i32
    return %arg0, %c0_i32 : i32, i32
  }
  func.func @transform_1(%arg0: i32) -> (i32, i32) {
    %c0_i32 = arith.constant 0 : i32
    %c0_i32_0 = arith.constant 0 : i32
    return %arg0, %c0_i32 : i32, i32
  }
  func.func @transform_2(%arg0: i32) -> (i32, i32) {
    %c0_i32 = arith.constant 0 : i32
    %c0_i32_0 = arith.constant 0 : i32
    return %arg0, %c0_i32 : i32, i32
  }
}

</mosaic_0001>

<sc_bundles>
// kernel: kernel.4.cloned.1.call-start
scs
__scs_entry_jumppad:
0x0: {  	(pc) =	sbr.rel $0x88, $3  }
0x1: {  	(tag) =	ssettag $0x0;
	lr =	simm.s32 $0x1  }
0x2: {  	[smem:$0x3FA0] =	sst lr;
	_ =	strace $0xD0000000  }
0x3: {  	_ = 	snop  }
0x4: {  	_ = 	snop  }
0x5: {  	_ = 	snop  }
0x6: {  	_ = 	snop  }
0x7: {  	_ = 	snop  }
__scs_overlays_trampoline_lowered:
0x8: {  	[smem:$0x3FAF] =	sst s0  }
0x9: {  	[smem:$0x3FB0] =	sst s1  }
0xa: {  	[smem:$0x3FB1] =	sst s2  }
0xb: {  	[smem:$0x3FB2] =	sst s3  }
0xc: {  	[smem:$0x3FB3] =	sst s4  }
0xd: {  	[smem:$0x3FB4] =	sst s5  }
0xe: {  	[smem:$0x3FB5] =	sst s6  }
0xf: {  	[smem:$0x3FB6] =	sst s7  }
0x10: {  	[smem:$0x3FB7] =	sst s8  }
0x11: {  	[smem:$0x3FB8] =	sst s9;
	s0 =	simm.s32 @!p0 $0x0  }
0x12: {  	s1 =	sld [smem:$0x3F9E];
	s0 =	simm.s32 @p0 $0x1  }
0x13: {  	[smem:$0x3FB9] =	sst s0;
	s0 =	simm.s32 @!p1 $0x0  }
0x14: {  	s2 =	sld [smem:$0x3F9D];
	s0 =	simm.s32 @p1 $0x1  }
0x15: {  	[smem:$0x3FBA] =	sst s0;
	s0 =	simm.s32 @!p2 $0x0  }
0x16: {  	s3 =	sld [smem:$0x3FDB];
	s0 =	simm.s32 @p2 $0x1  }
0x17: {  	s4 =	simm.s32 $0x1BF5;
	[smem:$0x3FBC] =	sst s0  }
0x18: {  	s0 =	sld [smem:$0x3F9F];
	_ =	swait.ge [sflag:s4], $0x0  }
0x19: {  	s7 =	sld [smem:$0x3FA0]  }
0x1a: {  	s8 =	sadd.s32 $0xFFFFE003, lr  }
0x1b: {  	s9 =	sadd.s32 $0xFFFFFEF7, lr;
	s5 =	simm.s32 $0xFFFFFFFF;
	p2 =	slt.u32 s8, $0xFFFFF086  }
0x1c: {  	p1 =	slt.u32 s9, $0xF7A;
	s5 =	simm.s32 @!p2 $0x0  }
0x1d: {  	s5 =	simm.s32 @p1 $0x1;
	p0 =	seq.s32 s7, s2  }
0x1e: {  	s7 =	smul.u32 @!p0 $0xF7A, s2;
	p2 =	seq.s32 @!p0 s5, $0x0  }
0x1f: {  	s9 =	smul.u32 $0xF7A, s1;
	s8 =	simm.s32 @!p0 $0x1BF5;
	p2 =	por !p2, p0  }
0x20: {  	[sflag:s8] =	ssyncset.s32 @!p0 $0xFFFFF086;
	s6 =	sadd.s32 @!p0 s3, s7;
	s7 =	simm.s32 @!p0 $0x108  }
0x21: {  	s3 =	sadd.s32 s3, s9;
	s6 =	sadd.s32 @!p0 $0x88, s6;
	s7 =	simm.s32 @p2 $0x1082  }
0x22: {  	[simem:s7], [sflag:s8] =	dma.local @!p0 [hbm:s6], $0xF7A  }
0x23: {  	s9 =	sor.u32 $0xD0000000, s2;
	s6 =	simm.s32 $0x108;
	_ =	swait.ge @!p0 [sflag:s8], $0x0  }
0x24: {  	s3 =	sadd.s32 $0x88, s3;
	s6 =	simm.s32 @!p1 $0x1082;
	[sflag:s4] =	ssyncset.s32 $0xFFFFF086  }
0x25: {  	[simem:s6], [sflag:s4] =	dma.local [hbm:s3], $0xF7A  }
0x26: {  	[smem:$0x3FA0] =	sst s1;
	(tag) =	ssettag s2;
	_ =	strace s9  }
0x27: {  	s1 =	sld [smem:$0x3FB0]  }
0x28: {  	s2 =	sld [smem:$0x3FB1]  }
0x29: {  	s4 =	sld [smem:$0x3FB3]  }
0x2a: {  	p0 =	seq.s32 s5, $0x0;
	s5 =	sld [smem:$0x3FB4]  }
0x2b: {  	s6 =	sld [smem:$0x3FB5]  }
0x2c: {  	s7 =	sld [smem:$0x3FB6]  }
0x2d: {  	s3 =	simm.s32 $0x108;
	s8 =	sld [smem:$0x3FB7]  }
0x2e: {  	s3 =	simm.s32 @!p0 $0x1082;
	s9 =	sld [smem:$0x3FB8]  }
0x2f: {  	lr =	sadd.s32 s0, s3;
	s0 =	sld [smem:$0x3FAF]  }
0x30: {  	s3 =	sld [smem:$0x3FB2]  }
0x31: {  	[smem:$0x3FBB] =	sst s10  }
0x32: {  	s10 =	sld [smem:$0x3FB9];
	_ =	sdelay $0x3  }
0x33: {  	p0 =	seq.s32 s10, $0x1;
	s10 =	sld [smem:$0x3FBB];
	_ =	sdelay $0x3  }
0x34: {  	[smem:$0x3FBB] =	sst s10  }
0x35: {  	s10 =	sld [smem:$0x3FBA];
	_ =	sdelay $0x3  }
0x36: {  	p1 =	seq.s32 s10, $0x1;
	s10 =	sld [smem:$0x3FBB];
	_ =	sdelay $0x3  }
0x37: {  	[smem:$0x3FBB] =	sst s10  }
0x38: {  	s10 =	sld [smem:$0x3FBC]  }
0x39: {  	_ = 	snop;
	(pc) =	sbr.ind lr, $3  }
0x3a: {  	_ = 	snop  }
0x3b: {  	_ = 	snop  }
0x3c: {  	p2 =	seq.s32 s10, $0x1;
	s10 =	sld [smem:$0x3FBB]  }
0x3d: {  	_ =	shalt  }
0x3e: {  	_ =	shalt  }
0x3f: {  	_ =	shalt  }
0x40: {  	_ =	shalt  }
0x41: {  	_ =	shalt  }
0x42: {  	_ =	shalt  }
0x43: {  	_ =	shalt  }
0x44: {  	_ =	shalt  }
0x45: {  	_ =	shalt  }
0x46: {  	_ =	shalt  }
0x47: {  	_ =	shalt  }
0x48: {  	_ =	shalt  }
0x49: {  	_ =	shalt  }
0x4a: {  	_ =	shalt  }
0x4b: {  	_ =	shalt  }
0x4c: {  	_ =	shalt  }
0x4d: {  	_ =	shalt  }
0x4e: {  	_ =	shalt  }
0x4f: {  	_ =	shalt  }
0x50: {  	_ =	shalt  }
0x51: {  	_ =	shalt  }
0x52: {  	_ =	shalt  }
0x53: {  	_ =	shalt  }
0x54: {  	_ =	shalt  }
0x55: {  	_ =	shalt  }
0x56: {  	_ =	shalt  }
0x57: {  	_ =	shalt  }
0x58: {  	_ =	shalt  }
0x59: {  	_ =	shalt  }
0x5a: {  	_ =	shalt  }
0x5b: {  	_ =	shalt  }
0x5c: {  	_ =	shalt  }
0x5d: {  	_ =	shalt  }
0x5e: {  	_ =	shalt  }
0x5f: {  	_ =	shalt  }
0x60: {  	_ =	shalt  }
0x61: {  	_ =	shalt  }
0x62: {  	_ =	shalt  }
0x63: {  	_ =	shalt  }
0x64: {  	_ =	shalt  }
0x65: {  	_ =	shalt  }
0x66: {  	_ =	shalt  }
0x67: {  	_ =	shalt  }
0x68: {  	_ =	shalt  }
0x69: {  	_ =	shalt  }
0x6a: {  	_ =	shalt  }
0x6b: {  	_ =	shalt  }
0x6c: {  	_ =	shalt  }
0x6d: {  	_ =	shalt  }
0x6e: {  	_ =	shalt  }
0x6f: {  	_ =	shalt  }
0x70: {  	_ =	shalt  }
0x71: {  	_ =	shalt  }
0x72: {  	_ =	shalt  }
0x73: {  	_ =	shalt  }
0x74: {  	_ =	shalt  }
0x75: {  	_ =	shalt  }
0x76: {  	_ =	shalt  }
0x77: {  	_ =	shalt  }
0x78: {  	_ =	shalt  }
0x79: {  	_ =	shalt  }
0x7a: {  	_ =	shalt  }
0x7b: {  	_ =	shalt  }
0x7c: {  	_ =	shalt  }
0x7d: {  	_ =	shalt  }
0x7e: {  	_ =	shalt  }
0x7f: {  	_ =	shalt  }
0x80: {  	_ =	shalt  }
0x81: {  	_ =	shalt  }
0x82: {  	_ =	shalt  }
0x83: {  	_ =	shalt  }
0x84: {  	_ =	shalt  }
0x85: {  	_ =	shalt  }
0x86: {  	_ =	shalt  }
0x87: {  	_ =	shalt  }
.Lfunc_end0:
.L_simem_size_0:
called_computation_lowered:
.L_overlay_start_0:
0x88: {  	s2 =	sld [smem:$0x3FD9]  }
0x89: {  	s3 =	sld [smem:$0x3FFE];
	_ =	sdelay $0x1  }
0x8a: {  	s1 =	srdreg.scid  }
0x8b: {  	s0 =	sand.u32 $0x1, s1  }
0x8c: {  	s18 =	sshll.u32 s0, $0xA;
	s2 =	sadd.s32 s3, s2  }
0x8d: {  	s2 =	sadd.s32 s2, s18  }
0x8e: {  	[smem:$0x3FC7] =	sst s2  }
0x8f: {  	_ = 	snop  }
0x90: {  	s2 =	sld [smem:$0x3FC9]  }
0x91: {  	s19 =	sld [smem:$0x3FD0];
	(tm) =	ssettm $0x1  }
0x92: {  	s4 =	sld [smem:$0x3FFB];
	_ =	sdelay $0x3  }
0x93: {  	_ =	strace s4  }
0x94: {  	s4 =	sld [smem:$0x3FFC];
	_ =	sdelay $0x3  }
0x95: {  	_ =	strace s4  }
0x96: {  	s4 =	sld [smem:$0x3FFD];
	_ =	sdelay $0x3  }
0x97: {  	_ =	strace s4  }
0x98: {  	_ =	strace $0x8FFFFFFF  }
0x99: {  	s20 =	sld [smem:$0x3FDB];
	_ =	sdelay $0x1  }
0x9a: {  	s5 =	simm.s32 $_scs_section_size  }
0x9b: {  	s6 =	simm.s32 $_size__tile_overlayer_lowered;
	s7 =	simm.s32 $_tile_overlayer_lowered  }
0x9c: {  	s23 =	simm.s32 $0x1BFF;
	s22 =	sshll.u32 s7, $0x1;
	s4 =	sadd.s32 s5, s20  }
0x9d: {  	s8 =	simm.s32 $0x0;
	s21 =	sshll.u32 s6, $0x1;
	s6 =	sadd.s32 s22, s4  }
0x9e: {  	[timem:s8], [sflag:s23] =	dma.local [hbm:s6], s21  }
0x9f: {  	_ =	swait.ge [sflag:s23], s21  }
0xa0: {  	s5 =	ssub.s32 $0x0, s21;
	[sflag:s23] =	ssyncset.done $0x0  }
0xa1: {  	[sflag:s23] =	ssyncadd.s32 s5;
	_ =	sdelay $0x1  }
0xa2: {  	s24 =	simm.s32 $0x1B8B  }
0xa3: {  	_ =	swait.ge [sflag:s24], $0x1  }
0xa4: {  	[sflag:s24] =	ssyncset.done $0x0  }
0xa5: {  	s25 =	simm.s32 $0x1B8E;
	[sflag:s24] =	ssyncadd.s32 $0xFFFFFFFF  }
0xa6: {  	s26 =	simm.s32 $execute0_lowered;
	[smem:$0x3FD2] =	sst s25  }
0xa7: {  	s5 =	sshll.u32 s26, $0x1;
	_ =	strace $0x80000046;
	[dreg:$0x1] =	wrdreg $0xFFFFFFFF  }
0xa8: {  	s28 =	simm.s32 $_size_execute0_lowered;
	s4 =	sadd.s32 s4, s5;
	[dreg:$0x0] =	wrdreg $0x0  }
0xa9: {  	s5 =	sshll.u32 s28, $0x1;
	[dreg:$0x2] =	wrdreg s4  }
0xaa: {  	[dreg:$0x3] =	wrdreg s5  }
0xab: {  	[dreg:$0x4] =	wrdreg $0xC0  }
0xac: {  	_ =	task [dreg:s8], $0x5FFFF  }
0xad: {  	[dreg:$0x1] =	wrdreg $0xFFFFFFFF  }
0xae: {  	[dreg:$0x0] =	wrdreg $0x60  }
0xaf: {  	[dreg:$0x2] =	wrdreg s2  }
0xb0: {  	[dreg:$0x3] =	wrdreg s19  }
0xb1: {  	[dreg:$0x4] =	wrdreg $0x9  }
0xb2: {  	_ =	task.clear_ibuf [dreg:s8], $0x5FFFF;
	_ =	strace $0x90000046  }
0xb3: {  	s29 =	simm.s32 $0x9;
	_ =	strace $0x80000048  }
0xb4: {  	_ =	swait.ge [sflag:s29], $0x1  }
0xb5: {  	[sflag:s29] =	ssyncadd.s32 $0xFFFFFFFF  }
0xb6: {  	_ =	strace $0x90000048  }
0xb7: {  	_ =	sfence  }
0xb8: {  	s30 =	sld [smem:$0x0];
	_ =	sdelay $0x2  }
0xb9: {  	s31 =	sshll.u32 s1, $0xD;
	s1 =	sshrl.u32 s1, $0x2  }
0xba: {  	s3 =	sand.u32 $0x4000, s31;
	s1 =	sadd.s32 s1, s30  }
0xbb: {  	s0 =	sor.u32 s3, s0;
	s1 =	sshll.u32 s1, $0x11  }
0xbc: {  	s0 =	sor.u32 s1, s0  }
0xbd: {  	s0 =	sadd.s32 $0x8F2B, s0  }
0xbe: {  	[sflag:s0] =	ssyncadd.remote.s32 $0x1  }
0xbf: {  	_ =	sfence.sel $0xFFFF  }
0xc0: {  	[dreg:$0x0] =	wrdreg $0xFFFFFFFF;
	(pc) =	sbr.abs _section_cstart, $3  }
0xc1: {  	[dreg:$0x1] =	wrdreg $0xFFFFFFFF  }
0xc2: {  	_ =	task.clear_ibuf [dreg:s8], $0x2FFFF;
	_ =	strace $0x9FFFFFFF  }
0xc3: {  	(tm) =	ssettm $0x7FFFFFFF  }
tec
execute0_lowered:
.L_overlay_start_1:
0x0: {  	(tag) =	ssettag $0x1  }
0x1: {  	s1 =	rddreg [dreg:$0x0]  }
0x2: {  	s0 =	rddreg [dreg:$0x1];
	s2 =	srdreg.scid  }
0x3: {  	s3 =	simm.s32 $0x0;
	s6 =	stileid.u32;
	s10 =	simm.s32 $0x80  }
0x4: {  	s11 =	simm.s32 $0x400;
	s13 =	simm.s32 $0x8000;
	s14 =	simm.s32 $0xC000  }
0x5: {  	s15 =	simm.s32 $0x1;
	s16 =	simm.s32 $0x10000;
	s17 =	simm.s32 $0x12000  }
0x6: {  	s18 =	simm.s32 $0x200000;
	s19 =	simm.s32 $0x2;
	s21 =	simm.s32 $0x3  }
0x7: {  	s22 =	simm.s32 $0x0;
	s2 =	sand.u32 $0x1, s2;
	[smem:$0x7FF] =	sst s3  }
.Ltmp0:
0x8: {  	s6 =	sshll.u32 s6, $0x1;
	s4 =	ssub.s32 $0x2, s2;
	(pc) =	sbr.rel .LBB2_1-.Ltmp0, $4  }
0x9: {  	_ =	strace $0x80000047;
	s2 =	sor.u32 s2, s6;
	s5 =	sshrl.u32 s4, $0x1  }
0xa: {  	s7 =	sshll.u32 s2, $0x12;
	s9 =	ssub.s32 s4, s5;
	s4 =	sshll.u32 s2, $0x6  }
0xb: {  	s5 =	sadd.s32 $0x4000, s1;
	s6 =	sadd.s32 s1, s7;
	s2 =	sshll.u32 s2, $0x7  }
0xc: {  	v0 =	vlaneseq.u32;
	v1 =	vimm.s32 $0x1;
	v2 =	vimm.s32 $0x0;
	s7 =	sadd.s32 s7, s5;
	s8 =	sadd.s32 s0, s2;
	s9 =	smax.u32 s9, $0x1  }
.LBB2_31:
0xd: {  	s22 =	sadd.s32 $0x1, s22  }
0xe: {  	p0 =	sne.s32 s22, s9  }
.Ltmp1:
0xf: {  	s0 =	simm.s32 $0x1A080;
	(pc) =	sbr.rel @!p0 .LBB2_32-.Ltmp1, $4  }
0x10: {  	[hbm4b:s8+s3] =	stream.linear.scatter [tilespmem:s0], [sflag:$0x3], $0x400, $0x38;
	[tilespmem:$0x1A480] =	vst v63  }
0x11: {  	_ =	swait.ge [sflag:s21], $0x400  }
0x12: {  	[sflag:s21] =	ssyncset.done $0x0  }
0x13: {  	[sflag:s21] =	ssyncadd.s32 $0xFFFFFC00  }
.LBB2_1:
.Ltmp2:
0x14: {  	(pc) =	sbr.rel .LBB2_2-.Ltmp2, $4  }
0x15: {  	_ = 	snop  }
0x16: {  	[tilespmem:s3], [sflag:$0x1] =	stream.strided.gather [hbm4b:s6+s10], $0x4000, s11, s10, $0x38;
	[tilespmem:$0x1A480] =	vst v63  }
0x17: {  	s0 =	simm.s32 $0x4000;
	s23 =	simm.s32 $0x0  }
0x18: {  	[tilespmem:s0], [sflag:$0x1] =	stream.strided.gather [hbm4b:s7+s10], $0x4000, s11, s10, $0x38;
	[tilespmem:$0x1A480] =	vst v63  }
.LBB2_30:
0x19: {  	s23 =	sadd.s32 $0x1, s23  }
0x1a: {  	p0 =	sne.s32 s23, $0x20  }
.Ltmp3:
0x1b: {  	_ = 	snop;
	(pc) =	sbr.rel @!p0 .LBB2_31-.Ltmp3, $3  }
0x1c: {  	v3 =	vmov s2  }
0x1d: {  	v3 =	vbroadcast v3, $0x0;
	_ =	sdelay $0x1  }
0x1e: {  	[tilespmem:s24+$0x1A090] =	vst v3  }
.LBB2_2:
0x1f: {  	s0 =	sshll.u32 s23, $0x1  }
0x20: {  	s25 =	sadd.s32 s4, s0  }
0x21: {  	s24 =	sshll.u32 s23, $0x5;
	s0 =	sshll.u32 s25, $0xC  }
0x22: {  	s2 =	sand.u32 $0x60, s24;
	s0 =	sand.u32 $0xFFF8000, s0  }
0x23: {  	s0 =	sor.u32 s0, s2  }
0x24: {  	s0 =	sor.u32 $0x10, s0  }
0x25: {  	s31 =	sadd.s32 s1, s0  }
0x26: {  	[tilespmem:s13], [sflag:$0x2] =	stream.strided.gather [hbm4b:s31+s10], $0x4000, s11, s10, $0x38;
	[tilespmem:$0x1A480] =	vst v63  }
0x27: {  	s0 =	sadd.s32 s0, s5  }
0x28: {  	[tilespmem:s14], [sflag:$0x2] =	stream.strided.gather [hbm4b:s0+s10], $0x4000, s11, s10, $0x38;
	[tilespmem:$0x1A480] =	vst v63  }
0x29: {  	_ =	swait.ge [sflag:s15], $0x4000  }
0x2a: {  	[sflag:s15] =	ssyncset.done $0x0  }
0x2b: {  	[sflag:s15] =	ssyncadd.s32 $0xFFFFC000  }
0x2c: {  	_ =	swait.ge [sflag:s15], $0x4000  }
0x2d: {  	[sflag:s15] =	ssyncset.done $0x0  }
0x2e: {  	v4 =	vimm.s32 $0x0;
	s0 =	simm.s32 $0x10040;
	[sflag:s15] =	ssyncadd.s32 $0xFFFFC000  }
0x2f: {  	[tilespmem:s0+$0x30] =	vst v4  }
0x30: {  	[tilespmem:s0+$0xFFFFFFC0] =	vst v4  }
0x31: {  	[tilespmem:s0+$0xFFFFFFD0] =	vst v4  }
0x32: {  	[tilespmem:s0+$0xFFFFFFE0] =	vst v4  }
0x33: {  	[tilespmem:s0+$0xFFFFFFF0] =	vst v4  }
0x34: {  	[tilespmem:s0+$0x0] =	vst v4  }
0x35: {  	s12 =	simm.s32 $0x0;
	s2 =	simm.s32 $0x40;
	[tilespmem:s0+$0x10] =	vst v4  }
.LBB2_3:
0x36: {  	s12 =	sadd.s32 $0x8, s12;
	[tilespmem:s0+$0x20] =	vst v4;
	s0 =	sadd.s32 $0x80, s0  }
0x37: {  	[tilespmem:s0+$0x30] =	vst v4;
	p0 =	slt.u32 s12, $0x1F8  }
0x38: {  	[tilespmem:s0+$0xFFFFFFC0] =	vst v4  }
.Ltmp4:
0x39: {  	[tilespmem:s0+$0xFFFFFFD0] =	vst v4;
	(pc) =	sbr.rel @p0 .LBB2_3-.Ltmp4, $4  }
0x3a: {  	[tilespmem:s0+$0xFFFFFFE0] =	vst v4  }
0x3b: {  	[tilespmem:s0+$0xFFFFFFF0] =	vst v4  }
0x3c: {  	[tilespmem:s0+$0x0] =	vst v4  }
0x3d: {  	[tilespmem:s0+$0x10] =	vst v4  }
0x3e: {  	[tilespmem:s0+$0x20] =	vst v4  }
0x3f: {  	v6 =	vld [tilespmem:s2+$0x30]  }
0x40: {  	v7 =	vld [tilespmem:s2+$0x20];
	_ =	sdelay $0x1  }
0x41: {  	v3 =	vld [tilespmem:s2+$0x10]  }
0x42: {  	v11 =	vld [tilespmem:s2+$0xFFFFFFD0]  }
0x43: {  	v5 =	vshrl.u32 v6, $0x12  }
0x44: {  	v15 =	vld [tilespmem:s2+$0xFFFFFFF0];
	v8 =	vshrl.u32 v7, $0x12;
	v5 =	vand.u32 $0x1FF0, v5  }
0x45: {  	v9 =	vld [tilespmem:s2+$0xFFFFFFC0];
	v8 =	vand.u32 $0x1FF0, v8;
	v13 =	vor.u32 v0, v5  }
0x46: {  	v5 =	vld [tilespmem:s2+$0x0];
	v16 =	vor.u32 v0, v8;
	v8 =	vshrl.u32 v3, $0x12  }
0x47: {  	v10 =	vshrl.u32 v11, $0x12;
	v12 =	vand.u32 $0x1FF0, v8  }
0x48: {  	v8 =	vand.u32 $0x1FF0, v10;
	v10 =	vor.u32 v0, v12;
	_ =	sdelay $0x1  }
0x49: {  	v14 =	vshrl.u32 v9, $0x12;
	v12 =	vand.u32 $0x7FFFFFFF, v9;
	v9 =	vand.u32 $0x7FFFFFFF, v15;
	[tilespmem:v13+s16+$0x0] =	vst.idx.add.s32.msk $0xffff, v1  }
0x4a: {  	vm0 =	vgt.s32 v4, v12;
	v13 =	vand.u32 $0x1FF0, v14;
	v17 =	vshrl.u32 v5, $0x12;
	[tilespmem:v16+s16+$0x0] =	vst.idx.add.s32.msk $0xffff, v1  }
0x4b: {  	s0 =	simm.s32 $0x0;
	v14 =	vand.u32 $0x7FFFFFFF, v11;
	v11 =	vld [tilespmem:s2+$0xFFFFFFE0];
	v16 =	vshrl.u32 v15, $0x12;
	s2 =	simm.s32 $0xC0;
	v15 =	vand.u32 $0x1FF0, v17  }
.LBB2_5:
0x4c: {  	s0 =	sadd.s32 $0x8, s0;
	v16 =	vand.u32 $0x1FF0, v16;
	[tilespmem:v10+s16+$0x0] =	vst.idx.add.s32.msk $0xffff, v1  }
0x4d: {  	v15 =	vor.u32 v0, v15;
	v10 =	vld [tilespmem:s2+$0x30];
	p0 =	slt.u32 s0, $0x7F8;
	v16 =	vor.u32 v0, v16  }
0x4e: {  	v13 =	vor.u32 v0, v13;
	v18 =	vand.u32 $0x7FFFFFFF, v6;
	v17 =	vld [tilespmem:s2+$0x20]  }
0x4f: {  	v19 =	vand.u32 $0x7FFFFFFF, v5;
	v20 =	vand.u32 $0x7FFFFFFF, v3;
	v21 =	vand.u32 $0x7FFFFFFF, v7;
	v5 =	vld [tilespmem:s2+$0x0]  }
0x50: {  	v4 =	vsel vm0, v4, v12;
	v8 =	vor.u32 v0, v8;
	v3 =	vld [tilespmem:s2+$0x10];
	v7 =	vshrl.u32 v11, $0x12  }
0x51: {  	v4 =	vmax.u32 v4, v14;
	v24 =	vand.u32 $0x7FFFFFFF, v11;
	v22 =	vld [tilespmem:s2+$0xFFFFFFD0];
	v14 =	vand.u32 $0x1FF0, v7  }
0x52: {  	v4 =	vmax.u32 v4, v24;
	v23 =	vld [tilespmem:s2+$0xFFFFFFF0];
	v11 =	vshrl.u32 v10, $0x12;
	v12 =	vor.u32 v0, v14;
	v6 =	vmovc v10  }
0x53: {  	v4 =	vmax.u32 v4, v9;
	v10 =	vshrl.u32 v17, $0x12;
	v11 =	vand.u32 $0x1FF0, v11;
	[tilespmem:v13+s16+$0x0] =	vst.idx.add.s32.msk $0xffff, v1;
	v7 =	vmovc v17  }
0x54: {  	v4 =	vmax.u32 v4, v19;
	v9 =	vld [tilespmem:s2+$0xFFFFFFC0];
	v10 =	vand.u32 $0x1FF0, v10;
	v11 =	vor.u32 v0, v11  }
0x55: {  	v4 =	vmax.u32 v4, v20;
	v13 =	vshrl.u32 v3, $0x12;
	v17 =	vor.u32 v0, v10;
	[tilespmem:v8+s16+$0x0] =	vst.idx.add.s32.msk $0xffff, v1  }
0x56: {  	v4 =	vmax.u32 v4, v21;
	v8 =	vshrl.u32 v22, $0x12;
	v10 =	vand.u32 $0x1FF0, v13;
	[tilespmem:v16+s16+$0x0] =	vst.idx.add.s32.msk $0xffff, v1  }
.Ltmp5:
0x57: {  	v4 =	vmax.u32 v4, v18;
	v8 =	vand.u32 $0x1FF0, v8;
	v10 =	vor.u32 v0, v10;
	[tilespmem:v12+s16+$0x0] =	vst.idx.add.s32.msk $0xffff, v1;
	(pc) =	sbr.rel @p0 .LBB2_5-.Ltmp5, $4  }
0x58: {  	[tilespmem:v15+s16+$0x0] =	vst.idx.add.s32.msk $0xffff, v1  }
0x59: {  	v12 =	vand.u32 $0x7FFFFFFF, v9;
	v13 =	vshrl.u32 v9, $0x12;
	v9 =	vand.u32 $0x7FFFFFFF, v23;
	[tilespmem:v11+s16+$0x0] =	vst.idx.add.s32.msk $0xffff, v1  }
0x5a: {  	v14 =	vand.u32 $0x7FFFFFFF, v22;
	v15 =	vshrl.u32 v5, $0x12;
	v13 =	vand.u32 $0x1FF0, v13;
	[tilespmem:v17+s16+$0x0] =	vst.idx.add.s32.msk $0xffff, v1  }
0x5b: {  	v16 =	vshrl.u32 v23, $0x12;
	v15 =	vand.u32 $0x1FF0, v15;
	vm0 =	vgt.s32 v4, v12;
	v11 =	vld [tilespmem:s2+$0xFFFFFFE0];
	s2 =	sadd.s32 $0x80, s2  }
0x5c: {  	_ =	sdelay $0x2  }
0x5d: {  	v4 =	vsel vm0, v4, v12  }
0x5e: {  	v4 =	vmax.u32 v4, v14;
	v57 =	vand.u32 $0x7FFFFFFF, v11  }
0x5f: {  	v4 =	vmax.u32 v4, v57  }
0x60: {  	v5 =	vand.u32 $0x7FFFFFFF, v5;
	v4 =	vmax.u32 v4, v9  }
0x61: {  	v3 =	vand.u32 $0x7FFFFFFF, v3;
	v4 =	vmax.u32 v4, v5  }
0x62: {  	v58 =	vand.u32 $0x7FFFFFFF, v7;
	v3 =	vmax.u32 v4, v3  }
0x63: {  	v59 =	vand.u32 $0x7FFFFFFF, v6;
	v3 =	vmax.u32 v3, v58  }
0x64: {  	v3 =	vmax.u32 v3, v59  }
0x65: {  	v3 =	vxor.u32 $0x80000000, v3  }
0x66: {  	(xrf0) =	vmax.scan.msk.u32 $0xffff, v3;
	_ =	sdelay $0x5  }
0x67: {  	v3, _, _ =	vpop (xrf0)  }
0x68: {  	(v2sf) =	vpush v3, $0xF;
	_ =	sdelay $0xa  }
0x69: {  	v61 =	vor.u32 v0, v8;
	v62 =	vshrl.u32 v11, $0x12  }
0x6a: {  	v63 =	vor.u32 v0, v15;
	v6 =	vand.u32 $0x1FF0, v62  }
0x6b: {  	v60 =	vand.u32 $0x1FF0, v16;
	v6 =	vor.u32 v0, v6  }
0x6c: {  	v4 =	vor.u32 v0, v60  }
0x6d: {  	[tilespmem:v10+s16+$0x0] =	vst.idx.add.s32.msk $0xffff, v1;
	v3 =	vor.u32 v0, v13;
	s0 =	spop (v2sf)  }
0x6e: {  	[tilespmem:v61+s16+$0x0] =	vst.idx.add.s32.msk $0xffff, v1;
	s0 =	sshra.s32 s0, $0x16  }
0x6f: {  	[tilespmem:v63+s16+$0x0] =	vst.idx.add.s32.msk $0xffff, v1;
	s0 =	sxor.u32 $0xFFFFFE00, s0  }
0x70: {  	[tilespmem:v6+s16+$0x0] =	vst.idx.add.s32.msk $0xffff, v1;
	s12 =	sshll.u32 s0, $0x6  }
0x71: {  	[tilespmem:v4+s16+$0x0] =	vst.idx.add.s32.msk $0xffff, v1;
	s2 =	sadd.s32 $0x1, s0;
	s0 =	sshll.u32 s0, $0x16;
	s12 =	sshra.s32 s12, $0x2  }
0x72: {  	s20 =	simm.s32 $0x0;
	[tilespmem:v3+s16+$0x0] =	vst.idx.add.s32.msk $0xffff, v1;
	s0 =	sadd.s32 $0x400000, s0;
	s12 =	sadd.s32 $0x10000, s12  }
.LBB2_7:
0x73: {  	v3 =	vld [tilespmem:s12+$0x0];
	_ =	sdelay $0x4  }
0x74: {  	(xrf0) =	vadd.scan.msk.s32 $0xffff, v3;
	_ =	sdelay $0x5  }
0x75: {  	v3, _, _ =	vpop (xrf0)  }
0x76: {  	(v2sf) =	vpush v3, $0xF;
	_ =	sdelay $0xe  }
0x77: {  	s28 =	smov.u32 s20;
	s31 =	spop (v2sf)  }
0x78: {  	s20 =	sadd.s32 s28, s31  }
0x79: {  	p0 =	slt.s32 s20, $0x200  }
.Ltmp6:
0x7a: {  	_ = 	snop;
	(pc) =	sbr.rel @p0 .LBB2_7-.Ltmp6, $2  }
0x7b: {  	_ =	sdelay $0x2  }
0x7c: {  	s2 =	sadd.s32 $0xFFFFFFFF, s2;
	s0 =	sadd.s32 $0xFFC00000, s0;
	s12 =	sadd.s32 $0xFFFFFFF0, s12  }
0x7d: {  	s12 =	simm.s32 $0x40  }
0x7e: {  	v3 =	vld [tilespmem:s12+$0xFFFFFFC0]  }
0x7f: {  	v4 =	vld [tilespmem:s12+$0x20]  }
0x80: {  	v7 =	vld [tilespmem:s12+$0x10]  }
0x81: {  	v10 =	vld [tilespmem:s12+$0xFFFFFFD0]  }
0x82: {  	v5 =	vld [tilespmem:s12+$0x30];
	_ =	sdelay $0x1  }
0x83: {  	v9 =	vmov s2;
	v8 =	vld [tilespmem:s12+$0xFFFFFFE0]  }
0x84: {  	v18 =	vimm.s32 $0x0;
	v6 =	vand.u32 $0x7FFFFFFF, v3;
	v4 =	vand.u32 $0x7FFFFFFF, v4  }
0x85: {  	v7 =	vand.u32 $0x7FFFFFFF, v7;
	v10 =	vand.u32 $0x7FFFFFFF, v10;
	v3 =	vshrl.u32 v6, $0x16  }
0x86: {  	v14 =	vld [tilespmem:s12+$0xFFFFFFF0];
	v13 =	vshrl.u32 v4, $0x16;
	vm1 =	veq.s32 v3, v9;
	v3 =	vand.u32 $0x7FFFFFFF, v5  }
0x87: {  	v15 =	vshrl.u32 v7, $0x16;
	v16 =	vshrl.u32 v10, $0x16;
	v5 =	vshrl.u32 v3, $0x16  }
0x88: {  	v11 =	vmpcnt.ones.xlane vm1;
	vm6 =	veq.s32 v5, v9;
	v5 =	vand.u32 $0x7FFFFFFF, v8;
	v8 =	vld [tilespmem:s12+$0x0]  }
0x89: {  	vm0 =	veq.s32 v13, v9;
	vm5 =	veq.s32 v16, v9;
	vm4 =	veq.s32 v15, v9  }
0x8a: {  	v12 =	vadd.s32 v18, v11;
	v11 =	vsel vm6, $0x1, v2;
	v13 =	vshrl.u32 v5, $0x16  }
0x8b: {  	(xrf0) =	vadd.scan.msk.s32 $0xffff, v11;
	vm2 =	veq.s32 v13, v9;
	v13 =	vsel vm1, $0x1, v2;
	v11 =	vand.u32 $0x7FFFFFFF, v14  }
0x8c: {  	v14 =	vsel vm5, $0x1, v2;
	v16 =	vsel vm2, $0x1, v2;
	(xrf0) =	vadd.scan.msk.s32 $0xffff, v13;
	v15 =	vshrl.u32 v11, $0x16  }
0x8d: {  	v13 =	vmpcnt.ones.xlane vm5;
	(xrf0) =	vadd.scan.msk.s32 $0xffff, v16;
	vm7 =	veq.s32 v15, v9;
	v8 =	vand.u32 $0x7FFFFFFF, v8  }
0x8e: {  	v17 =	vsel vm4, $0x1, v2;
	v16 =	vsel vm7, $0x1, v2;
	(xrf0) =	vadd.scan.msk.s32 $0xffff, v14;
	v19 =	vshrl.u32 v8, $0x16  }
0x8f: {  	v15 =	vmpcnt.ones.xlane vm2;
	(xrf0) =	vadd.scan.msk.s32 $0xffff, v16;
	vm3 =	veq.s32 v19, v9;
	v19 =	vsel vm0, $0x1, v2  }
0x90: {  	v14 =	vadd.s32 v12, v13;
	v20 =	vmpcnt.ones.xlane vm7;
	(xrf0) =	vadd.scan.msk.s32 $0xffff, v17  }
0x91: {  	v16 =	vadd.s32 v14, v15;
	v13, _, _ =	vpop (xrf0);
	v21 =	vmpcnt.ones.xlane vm3;
	v22 =	vsel vm3, $0x1, v2;
	(xrf0) =	vadd.scan.msk.s32 $0xffff, v19  }
0x92: {  	v15 =	vadd.s32 v16, v20;
	(xrf0) =	vadd.scan.msk.s32 $0xffff, v22;
	v19, _, _ =	vpop (xrf0)  }
0x93: {  	s29 =	simm.s32 $0x0;
	s30 =	simm.s32 $0xC0;
	vm6 =	vmmov vm6;
	v17 =	vadd.s32 v15, v21;
	v19 =	vadd.s32 v19, v18;
	v18, _, _ =	vpop (xrf0)  }
.LBB2_9:
0x94: {  	v20 =	vld [tilespmem:s30+$0xFFFFFFC0];
	s29 =	sadd.s32 $0x8, s29;
	v19 =	vadd.s32 $0xFFFFFFFF, v19;
	v21 =	vmpcnt.ones.xlane vm6;
	v22, _, _ =	vpop (xrf0)  }
0x95: {  	v27 =	vmpcnt.ones.xlane vm4;
	v28 =	vmpcnt.ones.xlane vm0;
	v23 =	vld [tilespmem:s30+$0x20];
	p0 =	slt.u32 s29, $0x7F8;
	v12 =	vadd.s32 v22, v12;
	v25, _, _ =	vpop (xrf0)  }
0x96: {  	v14 =	vadd.s32 v18, v14;
	v26 =	vld [tilespmem:s30+$0x30];
	v12 =	vadd.s32 $0xFFFFFFFF, v12;
	v16 =	vadd.s32 v25, v16;
	v18, _, _ =	vpop (xrf0)  }
0x97: {  	v25 =	vld [tilespmem:s30+$0x10];
	v16 =	vadd.s32 $0xFFFFFFFF, v16;
	v18 =	vadd.s32 v18, v17;
	v17 =	vadd.s32 v17, v27;
	v22, _, _ =	vpop (xrf0)  }
0x98: {  	v27 =	vld [tilespmem:s30+$0x0];
	v18 =	vadd.s32 $0xFFFFFFFF, v18;
	v22 =	vadd.s32 v22, v17;
	v17 =	vadd.s32 v17, v28;
	v24, _, _ =	vpop (xrf0)  }
0x99: {  	v28 =	vld [tilespmem:s30+$0xFFFFFFD0];
	[tilespmem:v19+s17+$0x0] =	vst.idx.msk vm1, v6;
	v6 =	vand.u32 $0x7FFFFFFF, v20;
	v15 =	vadd.s32 v24, v15;
	v19 =	vadd.s32 $0xFFFFFFFF, v22  }
0x9a: {  	v14 =	vadd.s32 $0xFFFFFFFF, v14;
	v20 =	vshrl.u32 v6, $0x16;
	v22 =	vld [tilespmem:s30+$0xFFFFFFE0];
	v23 =	vand.u32 $0x7FFFFFFF, v23  }
0x9b: {  	vm1 =	veq.s32 v20, v9;
	v20 =	vshrl.u32 v23, $0x16;
	[tilespmem:v12+s17+$0x0] =	vst.idx.msk vm5, v10;
	v10 =	vadd.s32 v13, v17  }
0x9c: {  	v13 =	vand.u32 $0x7FFFFFFF, v26;
	v12 =	vmpcnt.ones.xlane vm1;
	[tilespmem:v16+s17+$0x0] =	vst.idx.msk vm7, v11;
	v11 =	vadd.s32 $0xFFFFFFFF, v10  }
0x9d: {  	v10 =	vshrl.u32 v13, $0x16;
	[tilespmem:v18+s17+$0x0] =	vst.idx.msk vm4, v7;
	v7 =	vand.u32 $0x7FFFFFFF, v25;
	v18 =	vadd.s32 v17, v21  }
0x9e: {  	v15 =	vadd.s32 $0xFFFFFFFF, v15;
	vm8 =	veq.s32 v10, v9;
	v12 =	vadd.s32 v18, v12;
	v16 =	vld [tilespmem:s30+$0xFFFFFFF0];
	[tilespmem:v19+s17+$0x0] =	vst.idx.msk vm0, v4  }
0x9f: {  	vm0 =	veq.s32 v20, v9;
	v17 =	vsel vm8, $0x1, v2;
	v4 =	vmovc v23;
	[tilespmem:v14+s17+$0x0] =	vst.idx.msk vm2, v5;
	v5 =	vand.u32 $0x7FFFFFFF, v22  }
0xa0: {  	v10 =	vand.u32 $0x7FFFFFFF, v28;
	v19 =	vshrl.u32 v7, $0x16;
	v14 =	vshrl.u32 v5, $0x16;
	(xrf0) =	vadd.scan.msk.s32 $0xffff, v17  }
0xa1: {  	v20 =	vsel vm0, $0x1, v2;
	v17 =	vshrl.u32 v10, $0x16;
	vm2 =	veq.s32 v14, v9;
	[tilespmem:v11+s17+$0x0] =	vst.idx.msk vm6, v3;
	v3 =	vmovc v13  }
0xa2: {  	vm4 =	veq.s32 v19, v9;
	vm5 =	veq.s32 v17, v9;
	v13 =	vsel vm2, $0x1, v2  }
0xa3: {  	v14 =	vsel vm1, $0x1, v2;
	v17 =	vmpcnt.ones.xlane vm5;
	v11 =	vand.u32 $0x7FFFFFFF, v16;
	[tilespmem:v15+s17+$0x0] =	vst.idx.msk vm3, v8  }
0xa4: {  	v19 =	vsel vm4, $0x1, v2;
	v15 =	vsel vm5, $0x1, v2;
	v8 =	vshrl.u32 v11, $0x16;
	(xrf0) =	vadd.scan.msk.s32 $0xffff, v14  }
0xa5: {  	v14 =	vadd.s32 v12, v17;
	vm7 =	veq.s32 v8, v9;
	v8 =	vand.u32 $0x7FFFFFFF, v27;
	(xrf0) =	vadd.scan.msk.s32 $0xffff, v13  }
0xa6: {  	v16 =	vmpcnt.ones.xlane vm2;
	v17 =	vsel vm7, $0x1, v2;
	v21 =	vshrl.u32 v8, $0x16;
	(xrf0) =	vadd.scan.msk.s32 $0xffff, v15;
	v13, _, _ =	vpop (xrf0)  }
.Ltmp7:
0xa7: {  	vm6 =	vmmov vm8;
	v15 =	vmpcnt.ones.xlane vm7;
	vm3 =	veq.s32 v21, v9;
	(xrf0) =	vadd.scan.msk.s32 $0xffff, v17;
	(pc) =	sbr.rel @p0 .LBB2_9-.Ltmp7, $4  }
0xa8: {  	v16 =	vadd.s32 v14, v16;
	v21 =	vsel vm3, $0x1, v2;
	v17 =	vmpcnt.ones.xlane vm3;
	(xrf0) =	vadd.scan.msk.s32 $0xffff, v19  }
0xa9: {  	v15 =	vadd.s32 v16, v15;
	(xrf0) =	vadd.scan.msk.s32 $0xffff, v20  }
0xaa: {  	v17 =	vadd.s32 v15, v17;
	v19, _, _ =	vpop (xrf0);
	(xrf0) =	vadd.scan.msk.s32 $0xffff, v21  }
0xab: {  	s30 =	sadd.s32 $0x80, s30;
	v19 =	vadd.s32 v19, v18;
	v18, _, _ =	vpop (xrf0)  }
0xac: {  	v9 =	vmpcnt.ones.xlane vm4  }
0xad: {  	v20 =	vmpcnt.ones.xlane vm0  }
0xae: {  	v21 =	vmpcnt.ones.xlane vm6;
	v9 =	vadd.s32 v17, v9  }
0xaf: {  	v20 =	vadd.s32 v9, v20  }
0xb0: {  	v21 =	vadd.s32 v20, v21  }
0xb1: {  	(v2sf) =	vpush v21, $0x0;
	_ =	sdelay $0xa  }
0xb2: {  	v54, _, _ =	vpop (xrf0);
	v19 =	vadd.s32 $0xFFFFFFFF, v19;
	v14 =	vadd.s32 v18, v14  }
0xb3: {  	v12 =	vadd.s32 v54, v12;
	v55, _, _ =	vpop (xrf0);
	v60 =	vadd.s32 $0xFFFFFFFF, v14  }
0xb4: {  	v12 =	vadd.s32 $0xFFFFFFFF, v12;
	v16 =	vadd.s32 v55, v16;
	v56, _, _ =	vpop (xrf0)  }
0xb5: {  	v16 =	vadd.s32 $0xFFFFFFFF, v16;
	v57 =	vadd.s32 v56, v17;
	v58, _, _ =	vpop (xrf0)  }
0xb6: {  	v17 =	vadd.s32 $0xFFFFFFFF, v57;
	v9 =	vadd.s32 v58, v9;
	s2 =	spop (v2sf)  }
0xb7: {  	v59, _, _ =	vpop (xrf0);
	v13 =	vadd.s32 v13, v20;
	v9 =	vadd.s32 $0xFFFFFFFF, v9;
	[tilespmem:v19+s17+$0x0] =	vst.idx.msk vm1, v6;
	s12 =	sadd.s32 $0xF, s2  }
0xb8: {  	v61 =	vadd.s32 v59, v15;
	v62 =	vadd.s32 $0xFFFFFFFF, v13;
	[tilespmem:v60+s17+$0x0] =	vst.idx.msk vm2, v5;
	s29 =	sshra.s32 s12, $0x4  }
0xb9: {  	v63 =	vadd.s32 $0xFFFFFFFF, v61;
	[tilespmem:v12+s17+$0x0] =	vst.idx.msk vm5, v10;
	s12 =	sshrl.u32 s29, $0x1E  }
0xba: {  	[tilespmem:v16+s17+$0x0] =	vst.idx.msk vm7, v11;
	s12 =	sadd.s32 s12, s29  }
0xbb: {  	[tilespmem:v17+s17+$0x0] =	vst.idx.msk vm4, v7;
	s30 =	sand.u32 $0xFFFFFFFC, s12  }
.Ltmp8:
0xbc: {  	[tilespmem:v9+s17+$0x0] =	vst.idx.msk vm0, v4;
	s12 =	ssub.s32 s29, s30;
	(pc) =	sbr.rel .LBB2_11-.Ltmp8, $4  }
0xbd: {  	[tilespmem:v62+s17+$0x0] =	vst.idx.msk vm6, v3;
	s20 =	sshll.u32 s29, $0x6;
	s26 =	sshll.u32 s12, $0x6  }
0xbe: {  	[tilespmem:v63+s17+$0x0] =	vst.idx.msk vm3, v8;
	s20 =	ssub.s32 s20, s26  }
0xbf: {  	s28 =	ssub.s32 $0x200, s28;
	[tilespmem:s2+$0x12000] =	vst v2;
	s2 =	simm.s32 $0x0;
	s20 =	sshra.s32 s20, $0x2  }
0xc0: {  	p0 =	slt.s32 s30, $0x1;
	p1 =	slt.s32 s12, $0x1;
	s31 =	sadd.s32 $0x12000, s20  }
.LBB2_15:
0xc1: {  	(xrf0) =	vadd.scan.msk.s32 $0xffff, v4;
	_ =	sdelay $0x5  }
0xc2: {  	v3, _, _ =	vpop (xrf0)  }
0xc3: {  	(v2sf) =	vpush v3, $0xF;
	_ =	sdelay $0xe  }
0xc4: {  	s12 =	spop (v2sf)  }
0xc5: {  	s2 =	sadd.s32 $0x1, s2;
	p2 =	slt.s32 s12, s28  }
0xc6: {  	s26 =	smov.u32 @p2 s0;
	p2 =	sne.s32 s2, $0x16  }
.Ltmp9:
0xc7: {  	_ = 	snop;
	(pc) =	sbr.rel @!p2 .LBB2_16-.Ltmp9, $2  }
0xc8: {  	_ =	sdelay $0x2  }
0xc9: {  	s0 =	smov.u32 s26  }
.LBB2_11:
.Ltmp10:
0xca: {  	(pc) =	sbr.rel @p0 .LBB2_12-.Ltmp10, $4  }
0xcb: {  	_ = 	snop  }
0xcc: {  	s12 =	sshrl.u32 s18, s2  }
0xcd: {  	s26 =	sor.u32 s12, s0  }
0xce: {  	v4 =	vimm.s32 $0x0;
	v3 =	vmov s26  }
0xcf: {  	p3 =	sgt.s32 s30, $0x4  }
.Ltmp11:
0xd0: {  	s12 =	simm.s32 $0x12020;
	(pc) =	sbr.rel @!p3 .LBB2_34-.Ltmp11, $4  }
0xd1: {  	v8 =	vld [tilespmem:s12+$0xFFFFFFE0]  }
0xd2: {  	v7 =	vld [tilespmem:s12+$0xFFFFFFF0]  }
0xd3: {  	v6 =	vld [tilespmem:s12+$0x0]  }
0xd4: {  	p2 =	por $0x0, $0x0;
	v5 =	vld [tilespmem:s12+$0x10]  }
0xd5: {  	p3 =	sgt.s32 s30, $0x8  }
.Ltmp12:
0xd6: {  	s12 =	simm.s32 $0x12060;
	vm0 =	vge.s32 v8, v3;
	(pc) =	sbr.rel @!p3 .LBB2_37-.Ltmp12, $4  }
0xd7: {  	v8 =	vld [tilespmem:s12+$0xFFFFFFE0];
	v9 =	vsel vm0, $0x1, v2;
	vm13 =	vge.s32 v7, v3  }
0xd8: {  	v7 =	vld [tilespmem:s12+$0xFFFFFFF0];
	v9 =	vadd.s32 v9, v4;
	v10 =	vsel vm13, $0x1, v2;
	vm14 =	vge.s32 v6, v3  }
0xd9: {  	v6 =	vld [tilespmem:s12+$0x0];
	v9 =	vadd.s32 v10, v9;
	v10 =	vsel vm14, $0x1, v2;
	vm15 =	vge.s32 v5, v3  }
0xda: {  	s20 =	simm.s32 $0x8;
	p2 =	por $0x1, $0x1;
	v5 =	vld [tilespmem:s12+$0x10];
	v9 =	vadd.s32 v10, v9;
	v10 =	vsel vm15, $0x1, v2  }
.LBB2_36:
0xdb: {  	s20 =	sadd.s32 $0x4, s20  }
0xdc: {  	v9 =	vadd.s32 v10, v9;
	p3 =	slt.s32 s20, s30  }
.Ltmp13:
0xdd: {  	s12 =	sadd.s32 $0x40, s12;
	vm0 =	vge.s32 v8, v3;
	(pc) =	sbr.rel @p3 .LBB2_36-.Ltmp13, $4  }
0xde: {  	v8 =	vld [tilespmem:s12+$0xFFFFFFE0];
	v10 =	vsel vm0, $0x1, v2;
	vm0 =	vge.s32 v7, v3  }
0xdf: {  	v7 =	vld [tilespmem:s12+$0xFFFFFFF0];
	v9 =	vadd.s32 v10, v9;
	v10 =	vsel vm0, $0x1, v2;
	vm0 =	vge.s32 v6, v3  }
0xe0: {  	v6 =	vld [tilespmem:s12+$0x0];
	v9 =	vadd.s32 v10, v9;
	v10 =	vsel vm0, $0x1, v2;
	vm0 =	vge.s32 v5, v3  }
0xe1: {  	v5 =	vld [tilespmem:s12+$0x10];
	v9 =	vadd.s32 v10, v9;
	v10 =	vsel vm0, $0x1, v2  }
.LBB2_37:
0xe2: {  	_ = 	snop  }
0xe3: {  	v9 =	vadd.s32 @p2 v10, v9;
	vm0 =	vge.s32 v8, v3  }
0xe4: {  	v4 =	vpsel p2, v9, v4;
	v8 =	vsel vm0, $0x1, v2;
	vm13 =	vge.s32 v7, v3  }
0xe5: {  	v4 =	vadd.s32 v8, v4;
	v7 =	vsel vm13, $0x1, v2;
	vm14 =	vge.s32 v6, v3  }
0xe6: {  	v4 =	vadd.s32 v7, v4;
	v6 =	vsel vm14, $0x1, v2;
	vm15 =	vge.s32 v5, v3  }
0xe7: {  	v4 =	vadd.s32 v6, v4;
	v5 =	vsel vm15, $0x1, v2  }
0xe8: {  	v4 =	vadd.s32 v5, v4  }
.LBB2_12:
.Ltmp14:
0xe9: {  	(pc) =	sbr.rel @p1 .LBB2_15-.Ltmp14, $1  }
0xea: {  	_ =	sdelay $0x3  }
0xeb: {  	s12 =	smov.u32 s31;
	s20 =	smov.u32 s30  }
.LBB2_14:
0xec: {  	v5 =	vld [tilespmem:s12+$0x0]  }
0xed: {  	s20 =	sadd.s32 $0x1, s20  }
0xee: {  	p2 =	slt.s32 s20, s29  }
.Ltmp15:
0xef: {  	_ = 	snop;
	(pc) =	sbr.rel @p2 .LBB2_14-.Ltmp15, $4  }
0xf0: {  	_ = 	snop  }
0xf1: {  	vm0 =	vge.s32 v5, v3  }
0xf2: {  	v5 =	vsel vm0, $0x1, v2  }
0xf3: {  	s12 =	sadd.s32 $0x10, s12;
	v4 =	vadd.s32 v5, v4  }
.Ltmp16:
0xf4: {  	_ = 	snop;
	(pc) =	sbr.rel .LBB2_15-.Ltmp16, $1  }
0xf5: {  	_ =	sdelay $0x3  }
.LBB2_34:
.Ltmp17:
0xf6: {  	(pc) =	sbr.rel .LBB2_37-.Ltmp17, $2  }
0xf7: {  	_ =	sdelay $0x2  }
0xf8: {  	_ = 	snop  }
.LBB2_16:
0xf9: {  	p0 =	seq.s32 s23, $0x1F  }
0xfa: {  	s0 =	sadd.s32 @!p0 $0x2, s25  }
0xfb: {  	v3 =	vmov s26;
	s2 =	sshll.u32 @!p0 s0, $0xC;
	s0 =	sshll.u32 @!p0 s0, $0x4  }
0xfc: {  	v3 =	vbroadcast v3, $0x0;
	s2 =	sand.u32 @!p0 $0xFFF8000, s2;
	s0 =	sand.u32 @!p0 $0x60, s0  }
0xfd: {  	s24 =	sand.u32 $0x3FFFFFE0, s24;
	s12 =	simm.s32 @!p0 $0x80;
	s0 =	sor.u32 @!p0 s0, s2  }
0xfe: {  	s20 =	simm.s32 @!p0 $0x400;
	s25 =	simm.s32 @!p0 $0x0;
	[tilespmem:s24+$0x1A080] =	vst v3;
	s2 =	sadd.s32 @!p0 s1, s0  }
0xff: {  	[tilespmem:s25], [sflag:$0x1] =	stream.strided.gather @!p0 [hbm4b:s2+s12], $0x4000, s20, s12, $0x38;
	[tilespmem:$0x1A480] =	vst v63  }
0x100: {  	s0 =	sadd.s32 @!p0 s0, s5;
	s2 =	simm.s32 @!p0 $0x4000  }
0x101: {  	[tilespmem:s2], [sflag:$0x1] =	stream.strided.gather @!p0 [hbm4b:s0+s12], $0x4000, s20, s12, $0x38;
	[tilespmem:$0x1A480] =	vst v63  }
0x102: {  	_ =	swait.ge [sflag:s19], $0x4000  }
0x103: {  	[sflag:s19] =	ssyncset.done $0x0  }
0x104: {  	[sflag:s19] =	ssyncadd.s32 $0xFFFFC000  }
0x105: {  	_ =	swait.ge [sflag:s19], $0x4000  }
0x106: {  	[sflag:s19] =	ssyncset.done $0x0  }
0x107: {  	v4 =	vimm.s32 $0x0;
	s0 =	simm.s32 $0x10040;
	[sflag:s19] =	ssyncadd.s32 $0xFFFFC000  }
0x108: {  	[tilespmem:s0+$0x30] =	vst v4  }
0x109: {  	[tilespmem:s0+$0xFFFFFFC0] =	vst v4  }
0x10a: {  	[tilespmem:s0+$0xFFFFFFD0] =	vst v4  }
0x10b: {  	[tilespmem:s0+$0xFFFFFFE0] =	vst v4  }
0x10c: {  	[tilespmem:s0+$0xFFFFFFF0] =	vst v4  }
0x10d: {  	[tilespmem:s0+$0x0] =	vst v4  }
0x10e: {  	s12 =	simm.s32 $0x0;
	s2 =	simm.s32 $0x8040;
	[tilespmem:s0+$0x10] =	vst v4  }
.LBB2_17:
0x10f: {  	s12 =	sadd.s32 $0x8, s12;
	[tilespmem:s0+$0x20] =	vst v4;
	s0 =	sadd.s32 $0x80, s0  }
0x110: {  	[tilespmem:s0+$0x30] =	vst v4;
	p0 =	slt.u32 s12, $0x1F8  }
0x111: {  	[tilespmem:s0+$0xFFFFFFC0] =	vst v4  }
.Ltmp18:
0x112: {  	[tilespmem:s0+$0xFFFFFFD0] =	vst v4;
	(pc) =	sbr.rel @p0 .LBB2_17-.Ltmp18, $4  }
0x113: {  	[tilespmem:s0+$0xFFFFFFE0] =	vst v4  }
0x114: {  	[tilespmem:s0+$0xFFFFFFF0] =	vst v4  }
0x115: {  	[tilespmem:s0+$0x0] =	vst v4  }
0x116: {  	[tilespmem:s0+$0x10] =	vst v4  }
0x117: {  	[tilespmem:s0+$0x20] =	vst v4  }
0x118: {  	v6 =	vld [tilespmem:s2+$0x30]  }
0x119: {  	v7 =	vld [tilespmem:s2+$0x20];
	_ =	sdelay $0x1  }
0x11a: {  	v3 =	vld [tilespmem:s2+$0x10]  }
0x11b: {  	v11 =	vld [tilespmem:s2+$0xFFFFFFD0]  }
0x11c: {  	v5 =	vshrl.u32 v6, $0x12  }
0x11d: {  	v15 =	vld [tilespmem:s2+$0xFFFFFFF0];
	v8 =	vshrl.u32 v7, $0x12;
	v5 =	vand.u32 $0x1FF0, v5  }
0x11e: {  	v9 =	vld [tilespmem:s2+$0xFFFFFFC0];
	v8 =	vand.u32 $0x1FF0, v8;
	v13 =	vor.u32 v0, v5  }
0x11f: {  	v5 =	vld [tilespmem:s2+$0x0];
	v16 =	vor.u32 v0, v8;
	v8 =	vshrl.u32 v3, $0x12  }
0x120: {  	v10 =	vshrl.u32 v11, $0x12;
	v12 =	vand.u32 $0x1FF0, v8  }
0x121: {  	v8 =	vand.u32 $0x1FF0, v10;
	v10 =	vor.u32 v0, v12;
	_ =	sdelay $0x1  }
0x122: {  	v14 =	vshrl.u32 v9, $0x12;
	v12 =	vand.u32 $0x7FFFFFFF, v9;
	v9 =	vand.u32 $0x7FFFFFFF, v15;
	[tilespmem:v13+s16+$0x0] =	vst.idx.add.s32.msk $0xffff, v1  }
0x123: {  	vm0 =	vgt.s32 v4, v12;
	v13 =	vand.u32 $0x1FF0, v14;
	v17 =	vshrl.u32 v5, $0x12;
	[tilespmem:v16+s16+$0x0] =	vst.idx.add.s32.msk $0xffff, v1  }
0x124: {  	s0 =	simm.s32 $0x0;
	v14 =	vand.u32 $0x7FFFFFFF, v11;
	v11 =	vld [tilespmem:s2+$0xFFFFFFE0];
	v16 =	vshrl.u32 v15, $0x12;
	s2 =	simm.s32 $0x80C0;
	v15 =	vand.u32 $0x1FF0, v17  }
.LBB2_19:
0x125: {  	s0 =	sadd.s32 $0x8, s0;
	v16 =	vand.u32 $0x1FF0, v16;
	[tilespmem:v10+s16+$0x0] =	vst.idx.add.s32.msk $0xffff, v1  }
0x126: {  	v15 =	vor.u32 v0, v15;
	v10 =	vld [tilespmem:s2+$0x30];
	p0 =	slt.u32 s0, $0x7F8;
	v16 =	vor.u32 v0, v16  }
0x127: {  	v13 =	vor.u32 v0, v13;
	v18 =	vand.u32 $0x7FFFFFFF, v6;
	v17 =	vld [tilespmem:s2+$0x20]  }
0x128: {  	v19 =	vand.u32 $0x7FFFFFFF, v5;
	v20 =	vand.u32 $0x7FFFFFFF, v3;
	v21 =	vand.u32 $0x7FFFFFFF, v7;
	v5 =	vld [tilespmem:s2+$0x0]  }
0x129: {  	v4 =	vsel vm0, v4, v12;
	v8 =	vor.u32 v0, v8;
	v3 =	vld [tilespmem:s2+$0x10];
	v7 =	vshrl.u32 v11, $0x12  }
0x12a: {  	v4 =	vmax.u32 v4, v14;
	v24 =	vand.u32 $0x7FFFFFFF, v11;
	v22 =	vld [tilespmem:s2+$0xFFFFFFD0];
	v14 =	vand.u32 $0x1FF0, v7  }
0x12b: {  	v4 =	vmax.u32 v4, v24;
	v23 =	vld [tilespmem:s2+$0xFFFFFFF0];
	v11 =	vshrl.u32 v10, $0x12;
	v12 =	vor.u32 v0, v14;
	v6 =	vmovc v10  }
0x12c: {  	v4 =	vmax.u32 v4, v9;
	v10 =	vshrl.u32 v17, $0x12;
	v11 =	vand.u32 $0x1FF0, v11;
	[tilespmem:v13+s16+$0x0] =	vst.idx.add.s32.msk $0xffff, v1;
	v7 =	vmovc v17  }
0x12d: {  	v4 =	vmax.u32 v4, v19;
	v9 =	vld [tilespmem:s2+$0xFFFFFFC0];
	v10 =	vand.u32 $0x1FF0, v10;
	v11 =	vor.u32 v0, v11  }
0x12e: {  	v4 =	vmax.u32 v4, v20;
	v13 =	vshrl.u32 v3, $0x12;
	v17 =	vor.u32 v0, v10;
	[tilespmem:v8+s16+$0x0] =	vst.idx.add.s32.msk $0xffff, v1  }
0x12f: {  	v4 =	vmax.u32 v4, v21;
	v8 =	vshrl.u32 v22, $0x12;
	v10 =	vand.u32 $0x1FF0, v13;
	[tilespmem:v16+s16+$0x0] =	vst.idx.add.s32.msk $0xffff, v1  }
.Ltmp19:
0x130: {  	v4 =	vmax.u32 v4, v18;
	v8 =	vand.u32 $0x1FF0, v8;
	v10 =	vor.u32 v0, v10;
	[tilespmem:v12+s16+$0x0] =	vst.idx.add.s32.msk $0xffff, v1;
	(pc) =	sbr.rel @p0 .LBB2_19-.Ltmp19, $4  }
0x131: {  	[tilespmem:v15+s16+$0x0] =	vst.idx.add.s32.msk $0xffff, v1  }
0x132: {  	v12 =	vand.u32 $0x7FFFFFFF, v9;
	v13 =	vshrl.u32 v9, $0x12;
	v9 =	vand.u32 $0x7FFFFFFF, v23;
	[tilespmem:v11+s16+$0x0] =	vst.idx.add.s32.msk $0xffff, v1  }
0x133: {  	v14 =	vand.u32 $0x7FFFFFFF, v22;
	v15 =	vshrl.u32 v5, $0x12;
	v13 =	vand.u32 $0x1FF0, v13;
	[tilespmem:v17+s16+$0x0] =	vst.idx.add.s32.msk $0xffff, v1  }
0x134: {  	v16 =	vshrl.u32 v23, $0x12;
	v15 =	vand.u32 $0x1FF0, v15;
	vm0 =	vgt.s32 v4, v12;
	v11 =	vld [tilespmem:s2+$0xFFFFFFE0];
	s2 =	sadd.s32 $0x80, s2  }
0x135: {  	_ =	sdelay $0x2  }
0x136: {  	v4 =	vsel vm0, v4, v12  }
0x137: {  	v4 =	vmax.u32 v4, v14;
	v57 =	vand.u32 $0x7FFFFFFF, v11  }
0x138: {  	v4 =	vmax.u32 v4, v57  }
0x139: {  	v5 =	vand.u32 $0x7FFFFFFF, v5;
	v4 =	vmax.u32 v4, v9  }
0x13a: {  	v3 =	vand.u32 $0x7FFFFFFF, v3;
	v4 =	vmax.u32 v4, v5  }
0x13b: {  	v58 =	vand.u32 $0x7FFFFFFF, v7;
	v3 =	vmax.u32 v4, v3  }
0x13c: {  	v59 =	vand.u32 $0x7FFFFFFF, v6;
	v3 =	vmax.u32 v3, v58  }
0x13d: {  	v3 =	vmax.u32 v3, v59  }
0x13e: {  	v3 =	vxor.u32 $0x80000000, v3  }
0x13f: {  	(xrf0) =	vmax.scan.msk.u32 $0xffff, v3;
	_ =	sdelay $0x5  }
0x140: {  	v3, _, _ =	vpop (xrf0)  }
0x141: {  	(v2sf) =	vpush v3, $0xF;
	_ =	sdelay $0xa  }
0x142: {  	v61 =	vor.u32 v0, v8;
	v62 =	vshrl.u32 v11, $0x12  }
0x143: {  	v63 =	vor.u32 v0, v15;
	v6 =	vand.u32 $0x1FF0, v62  }
0x144: {  	v60 =	vand.u32 $0x1FF0, v16;
	v6 =	vor.u32 v0, v6  }
0x145: {  	v4 =	vor.u32 v0, v60  }
0x146: {  	[tilespmem:v10+s16+$0x0] =	vst.idx.add.s32.msk $0xffff, v1;
	v3 =	vor.u32 v0, v13;
	s0 =	spop (v2sf)  }
0x147: {  	[tilespmem:v61+s16+$0x0] =	vst.idx.add.s32.msk $0xffff, v1;
	s0 =	sshra.s32 s0, $0x16  }
0x148: {  	[tilespmem:v63+s16+$0x0] =	vst.idx.add.s32.msk $0xffff, v1;
	s2 =	sxor.u32 $0xFFFFFE00, s0  }
0x149: {  	[tilespmem:v6+s16+$0x0] =	vst.idx.add.s32.msk $0xffff, v1;
	s12 =	sshll.u32 s2, $0x6  }
0x14a: {  	[tilespmem:v4+s16+$0x0] =	vst.idx.add.s32.msk $0xffff, v1;
	s0 =	sadd.s32 $0x1, s2;
	s2 =	sshll.u32 s2, $0x16;
	s12 =	sshra.s32 s12, $0x2  }
0x14b: {  	[tilespmem:v3+s16+$0x0] =	vst.idx.add.s32.msk $0xffff, v1;
	s25 =	sadd.s32 $0x400000, s2;
	s2 =	sadd.s32 $0x10000, s12;
	s12 =	simm.s32 $0x0  }
.LBB2_21:
0x14c: {  	v3 =	vld [tilespmem:s2+$0x0];
	_ =	sdelay $0x4  }
0x14d: {  	(xrf0) =	vadd.scan.msk.s32 $0xffff, v3;
	_ =	sdelay $0x5  }
0x14e: {  	v3, _, _ =	vpop (xrf0)  }
0x14f: {  	(v2sf) =	vpush v3, $0xF;
	_ =	sdelay $0xe  }
0x150: {  	s26 =	smov.u32 s12;
	s31 =	spop (v2sf)  }
0x151: {  	s12 =	sadd.s32 s26, s31  }
0x152: {  	p0 =	slt.s32 s12, $0x200  }
.Ltmp20:
0x153: {  	_ = 	snop;
	(pc) =	sbr.rel @p0 .LBB2_21-.Ltmp20, $2  }
0x154: {  	_ =	sdelay $0x2  }
0x155: {  	s0 =	sadd.s32 $0xFFFFFFFF, s0;
	s25 =	sadd.s32 $0xFFC00000, s25;
	s2 =	sadd.s32 $0xFFFFFFF0, s2  }
0x156: {  	s2 =	simm.s32 $0x8040  }
0x157: {  	v3 =	vld [tilespmem:s2+$0xFFFFFFC0]  }
0x158: {  	v4 =	vld [tilespmem:s2+$0x20]  }
0x159: {  	v7 =	vld [tilespmem:s2+$0x10]  }
0x15a: {  	v10 =	vld [tilespmem:s2+$0xFFFFFFD0]  }
0x15b: {  	v5 =	vld [tilespmem:s2+$0x30];
	_ =	sdelay $0x1  }
0x15c: {  	v9 =	vmov s0;
	v8 =	vld [tilespmem:s2+$0xFFFFFFE0]  }
0x15d: {  	v18 =	vimm.s32 $0x0;
	v6 =	vand.u32 $0x7FFFFFFF, v3;
	v4 =	vand.u32 $0x7FFFFFFF, v4  }
0x15e: {  	v7 =	vand.u32 $0x7FFFFFFF, v7;
	v10 =	vand.u32 $0x7FFFFFFF, v10;
	v3 =	vshrl.u32 v6, $0x16  }
0x15f: {  	v14 =	vld [tilespmem:s2+$0xFFFFFFF0];
	v13 =	vshrl.u32 v4, $0x16;
	vm1 =	veq.s32 v3, v9;
	v3 =	vand.u32 $0x7FFFFFFF, v5  }
0x160: {  	v15 =	vshrl.u32 v7, $0x16;
	v16 =	vshrl.u32 v10, $0x16;
	v5 =	vshrl.u32 v3, $0x16  }
0x161: {  	v11 =	vmpcnt.ones.xlane vm1;
	vm6 =	veq.s32 v5, v9;
	v5 =	vand.u32 $0x7FFFFFFF, v8;
	v8 =	vld [tilespmem:s2+$0x0]  }
0x162: {  	vm0 =	veq.s32 v13, v9;
	vm5 =	veq.s32 v16, v9;
	vm4 =	veq.s32 v15, v9  }
0x163: {  	v12 =	vadd.s32 v18, v11;
	v11 =	vsel vm6, $0x1, v2;
	v13 =	vshrl.u32 v5, $0x16  }
0x164: {  	(xrf0) =	vadd.scan.msk.s32 $0xffff, v11;
	vm2 =	veq.s32 v13, v9;
	v13 =	vsel vm1, $0x1, v2;
	v11 =	vand.u32 $0x7FFFFFFF, v14  }
0x165: {  	v14 =	vsel vm5, $0x1, v2;
	v16 =	vsel vm2, $0x1, v2;
	(xrf0) =	vadd.scan.msk.s32 $0xffff, v13;
	v15 =	vshrl.u32 v11, $0x16  }
0x166: {  	v13 =	vmpcnt.ones.xlane vm5;
	(xrf0) =	vadd.scan.msk.s32 $0xffff, v16;
	vm7 =	veq.s32 v15, v9;
	v8 =	vand.u32 $0x7FFFFFFF, v8  }
0x167: {  	v17 =	vsel vm4, $0x1, v2;
	v16 =	vsel vm7, $0x1, v2;
	(xrf0) =	vadd.scan.msk.s32 $0xffff, v14;
	v19 =	vshrl.u32 v8, $0x16  }
0x168: {  	v15 =	vmpcnt.ones.xlane vm2;
	(xrf0) =	vadd.scan.msk.s32 $0xffff, v16;
	vm3 =	veq.s32 v19, v9;
	v19 =	vsel vm0, $0x1, v2  }
0x169: {  	v14 =	vadd.s32 v12, v13;
	v20 =	vmpcnt.ones.xlane vm7;
	(xrf0) =	vadd.scan.msk.s32 $0xffff, v17  }
0x16a: {  	v16 =	vadd.s32 v14, v15;
	v13, _, _ =	vpop (xrf0);
	v21 =	vmpcnt.ones.xlane vm3;
	v22 =	vsel vm3, $0x1, v2;
	(xrf0) =	vadd.scan.msk.s32 $0xffff, v19  }
0x16b: {  	v15 =	vadd.s32 v16, v20;
	(xrf0) =	vadd.scan.msk.s32 $0xffff, v22;
	v19, _, _ =	vpop (xrf0)  }
0x16c: {  	s28 =	simm.s32 $0x0;
	s29 =	simm.s32 $0x80C0;
	vm6 =	vmmov vm6;
	v17 =	vadd.s32 v15, v21;
	v19 =	vadd.s32 v19, v18;
	v18, _, _ =	vpop (xrf0)  }
.LBB2_23:
0x16d: {  	v20 =	vld [tilespmem:s29+$0xFFFFFFC0];
	s28 =	sadd.s32 $0x8, s28;
	v19 =	vadd.s32 $0xFFFFFFFF, v19;
	v21 =	vmpcnt.ones.xlane vm6;
	v22, _, _ =	vpop (xrf0)  }
0x16e: {  	v27 =	vmpcnt.ones.xlane vm4;
	v28 =	vmpcnt.ones.xlane vm0;
	v23 =	vld [tilespmem:s29+$0x20];
	p0 =	slt.u32 s28, $0x7F8;
	v12 =	vadd.s32 v22, v12;
	v25, _, _ =	vpop (xrf0)  }
0x16f: {  	v14 =	vadd.s32 v18, v14;
	v26 =	vld [tilespmem:s29+$0x30];
	v12 =	vadd.s32 $0xFFFFFFFF, v12;
	v16 =	vadd.s32 v25, v16;
	v18, _, _ =	vpop (xrf0)  }
0x170: {  	v25 =	vld [tilespmem:s29+$0x10];
	v16 =	vadd.s32 $0xFFFFFFFF, v16;
	v18 =	vadd.s32 v18, v17;
	v17 =	vadd.s32 v17, v27;
	v22, _, _ =	vpop (xrf0)  }
0x171: {  	v27 =	vld [tilespmem:s29+$0x0];
	v18 =	vadd.s32 $0xFFFFFFFF, v18;
	v22 =	vadd.s32 v22, v17;
	v17 =	vadd.s32 v17, v28;
	v24, _, _ =	vpop (xrf0)  }
0x172: {  	v28 =	vld [tilespmem:s29+$0xFFFFFFD0];
	[tilespmem:v19+s17+$0x0] =	vst.idx.msk vm1, v6;
	v6 =	vand.u32 $0x7FFFFFFF, v20;
	v15 =	vadd.s32 v24, v15;
	v19 =	vadd.s32 $0xFFFFFFFF, v22  }
0x173: {  	v14 =	vadd.s32 $0xFFFFFFFF, v14;
	v20 =	vshrl.u32 v6, $0x16;
	v22 =	vld [tilespmem:s29+$0xFFFFFFE0];
	v23 =	vand.u32 $0x7FFFFFFF, v23  }
0x174: {  	vm1 =	veq.s32 v20, v9;
	v20 =	vshrl.u32 v23, $0x16;
	[tilespmem:v12+s17+$0x0] =	vst.idx.msk vm5, v10;
	v10 =	vadd.s32 v13, v17  }
0x175: {  	v13 =	vand.u32 $0x7FFFFFFF, v26;
	v12 =	vmpcnt.ones.xlane vm1;
	[tilespmem:v16+s17+$0x0] =	vst.idx.msk vm7, v11;
	v11 =	vadd.s32 $0xFFFFFFFF, v10  }
0x176: {  	v10 =	vshrl.u32 v13, $0x16;
	[tilespmem:v18+s17+$0x0] =	vst.idx.msk vm4, v7;
	v7 =	vand.u32 $0x7FFFFFFF, v25;
	v18 =	vadd.s32 v17, v21  }
0x177: {  	v15 =	vadd.s32 $0xFFFFFFFF, v15;
	vm8 =	veq.s32 v10, v9;
	v12 =	vadd.s32 v18, v12;
	v16 =	vld [tilespmem:s29+$0xFFFFFFF0];
	[tilespmem:v19+s17+$0x0] =	vst.idx.msk vm0, v4  }
0x178: {  	vm0 =	veq.s32 v20, v9;
	v17 =	vsel vm8, $0x1, v2;
	v4 =	vmovc v23;
	[tilespmem:v14+s17+$0x0] =	vst.idx.msk vm2, v5;
	v5 =	vand.u32 $0x7FFFFFFF, v22  }
0x179: {  	v10 =	vand.u32 $0x7FFFFFFF, v28;
	v19 =	vshrl.u32 v7, $0x16;
	v14 =	vshrl.u32 v5, $0x16;
	(xrf0) =	vadd.scan.msk.s32 $0xffff, v17  }
0x17a: {  	v20 =	vsel vm0, $0x1, v2;
	v17 =	vshrl.u32 v10, $0x16;
	vm2 =	veq.s32 v14, v9;
	[tilespmem:v11+s17+$0x0] =	vst.idx.msk vm6, v3;
	v3 =	vmovc v13  }
0x17b: {  	vm4 =	veq.s32 v19, v9;
	vm5 =	veq.s32 v17, v9;
	v13 =	vsel vm2, $0x1, v2  }
0x17c: {  	v14 =	vsel vm1, $0x1, v2;
	v17 =	vmpcnt.ones.xlane vm5;
	v11 =	vand.u32 $0x7FFFFFFF, v16;
	[tilespmem:v15+s17+$0x0] =	vst.idx.msk vm3, v8  }
0x17d: {  	v19 =	vsel vm4, $0x1, v2;
	v15 =	vsel vm5, $0x1, v2;
	v8 =	vshrl.u32 v11, $0x16;
	(xrf0) =	vadd.scan.msk.s32 $0xffff, v14  }
0x17e: {  	v14 =	vadd.s32 v12, v17;
	vm7 =	veq.s32 v8, v9;
	v8 =	vand.u32 $0x7FFFFFFF, v27;
	(xrf0) =	vadd.scan.msk.s32 $0xffff, v13  }
0x17f: {  	v16 =	vmpcnt.ones.xlane vm2;
	v17 =	vsel vm7, $0x1, v2;
	v21 =	vshrl.u32 v8, $0x16;
	(xrf0) =	vadd.scan.msk.s32 $0xffff, v15;
	v13, _, _ =	vpop (xrf0)  }
.Ltmp21:
0x180: {  	vm6 =	vmmov vm8;
	v15 =	vmpcnt.ones.xlane vm7;
	vm3 =	veq.s32 v21, v9;
	(xrf0) =	vadd.scan.msk.s32 $0xffff, v17;
	(pc) =	sbr.rel @p0 .LBB2_23-.Ltmp21, $4  }
0x181: {  	v16 =	vadd.s32 v14, v16;
	v21 =	vsel vm3, $0x1, v2;
	v17 =	vmpcnt.ones.xlane vm3;
	(xrf0) =	vadd.scan.msk.s32 $0xffff, v19  }
0x182: {  	v15 =	vadd.s32 v16, v15;
	(xrf0) =	vadd.scan.msk.s32 $0xffff, v20  }
0x183: {  	v17 =	vadd.s32 v15, v17;
	v19, _, _ =	vpop (xrf0);
	(xrf0) =	vadd.scan.msk.s32 $0xffff, v21  }
0x184: {  	s29 =	sadd.s32 $0x80, s29;
	v19 =	vadd.s32 v19, v18;
	v18, _, _ =	vpop (xrf0)  }
0x185: {  	v9 =	vmpcnt.ones.xlane vm4  }
0x186: {  	v20 =	vmpcnt.ones.xlane vm0  }
0x187: {  	v21 =	vmpcnt.ones.xlane vm6;
	v9 =	vadd.s32 v17, v9  }
0x188: {  	v20 =	vadd.s32 v9, v20  }
0x189: {  	v21 =	vadd.s32 v20, v21  }
0x18a: {  	(v2sf) =	vpush v21, $0x0;
	_ =	sdelay $0xa  }
0x18b: {  	v54, _, _ =	vpop (xrf0);
	v19 =	vadd.s32 $0xFFFFFFFF, v19;
	v14 =	vadd.s32 v18, v14  }
0x18c: {  	v12 =	vadd.s32 v54, v12;
	v55, _, _ =	vpop (xrf0);
	v60 =	vadd.s32 $0xFFFFFFFF, v14  }
0x18d: {  	v12 =	vadd.s32 $0xFFFFFFFF, v12;
	v16 =	vadd.s32 v55, v16;
	v56, _, _ =	vpop (xrf0)  }
0x18e: {  	v16 =	vadd.s32 $0xFFFFFFFF, v16;
	v57 =	vadd.s32 v56, v17;
	v58, _, _ =	vpop (xrf0)  }
0x18f: {  	v17 =	vadd.s32 $0xFFFFFFFF, v57;
	v9 =	vadd.s32 v58, v9;
	s0 =	spop (v2sf)  }
0x190: {  	v59, _, _ =	vpop (xrf0);
	v13 =	vadd.s32 v13, v20;
	v9 =	vadd.s32 $0xFFFFFFFF, v9;
	[tilespmem:v19+s17+$0x0] =	vst.idx.msk vm1, v6;
	s2 =	sadd.s32 $0xF, s0  }
0x191: {  	v61 =	vadd.s32 v59, v15;
	v62 =	vadd.s32 $0xFFFFFFFF, v13;
	[tilespmem:v60+s17+$0x0] =	vst.idx.msk vm2, v5;
	s28 =	sshra.s32 s2, $0x4  }
0x192: {  	v63 =	vadd.s32 $0xFFFFFFFF, v61;
	[tilespmem:v12+s17+$0x0] =	vst.idx.msk vm5, v10;
	s2 =	sshrl.u32 s28, $0x1E  }
0x193: {  	[tilespmem:v16+s17+$0x0] =	vst.idx.msk vm7, v11;
	s2 =	sadd.s32 s2, s28  }
0x194: {  	[tilespmem:v17+s17+$0x0] =	vst.idx.msk vm4, v7;
	s29 =	sand.u32 $0xFFFFFFFC, s2  }
.Ltmp22:
0x195: {  	[tilespmem:v9+s17+$0x0] =	vst.idx.msk vm0, v4;
	s2 =	ssub.s32 s28, s29;
	(pc) =	sbr.rel .LBB2_25-.Ltmp22, $4  }
0x196: {  	[tilespmem:v62+s17+$0x0] =	vst.idx.msk vm6, v3;
	s12 =	sshll.u32 s28, $0x6;
	s20 =	sshll.u32 s2, $0x6  }
0x197: {  	[tilespmem:v63+s17+$0x0] =	vst.idx.msk vm3, v8;
	s12 =	ssub.s32 s12, s20  }
0x198: {  	s26 =	ssub.s32 $0x200, s26;
	[tilespmem:s0+$0x12000] =	vst v2;
	s0 =	simm.s32 $0x0;
	s12 =	sshra.s32 s12, $0x2  }
0x199: {  	p0 =	slt.s32 s29, $0x1;
	p1 =	slt.s32 s2, $0x1;
	s30 =	sadd.s32 $0x12000, s12  }
.LBB2_29:
0x19a: {  	(xrf0) =	vadd.scan.msk.s32 $0xffff, v4;
	_ =	sdelay $0x5  }
0x19b: {  	v3, _, _ =	vpop (xrf0)  }
0x19c: {  	(v2sf) =	vpush v3, $0xF;
	_ =	sdelay $0xe  }
0x19d: {  	s12 =	spop (v2sf)  }
0x19e: {  	s0 =	sadd.s32 $0x1, s0;
	p2 =	slt.s32 s12, s26  }
0x19f: {  	s2 =	smov.u32 @p2 s25;
	p2 =	sne.s32 s0, $0x16  }
.Ltmp23:
0x1a0: {  	_ = 	snop;
	(pc) =	sbr.rel @!p2 .LBB2_30-.Ltmp23, $2  }
0x1a1: {  	_ =	sdelay $0x2  }
0x1a2: {  	s25 =	smov.u32 s2  }
.LBB2_25:
.Ltmp24:
0x1a3: {  	(pc) =	sbr.rel @p0 .LBB2_26-.Ltmp24, $4  }
0x1a4: {  	_ = 	snop  }
0x1a5: {  	s2 =	sshrl.u32 s18, s0  }
0x1a6: {  	s2 =	sor.u32 s2, s25  }
0x1a7: {  	v4 =	vimm.s32 $0x0;
	v3 =	vmov s2  }
0x1a8: {  	p3 =	sgt.s32 s29, $0x4  }
.Ltmp25:
0x1a9: {  	s12 =	simm.s32 $0x12020;
	(pc) =	sbr.rel @!p3 .LBB2_39-.Ltmp25, $4  }
0x1aa: {  	v8 =	vld [tilespmem:s12+$0xFFFFFFE0]  }
0x1ab: {  	v7 =	vld [tilespmem:s12+$0xFFFFFFF0]  }
0x1ac: {  	v6 =	vld [tilespmem:s12+$0x0]  }
0x1ad: {  	p2 =	por $0x0, $0x0;
	v5 =	vld [tilespmem:s12+$0x10]  }
0x1ae: {  	p3 =	sgt.s32 s29, $0x8  }
.Ltmp26:
0x1af: {  	s12 =	simm.s32 $0x12060;
	vm0 =	vge.s32 v8, v3;
	(pc) =	sbr.rel @!p3 .LBB2_42-.Ltmp26, $4  }
0x1b0: {  	v8 =	vld [tilespmem:s12+$0xFFFFFFE0];
	v9 =	vsel vm0, $0x1, v2;
	vm13 =	vge.s32 v7, v3  }
0x1b1: {  	v7 =	vld [tilespmem:s12+$0xFFFFFFF0];
	v9 =	vadd.s32 v9, v4;
	v10 =	vsel vm13, $0x1, v2;
	vm14 =	vge.s32 v6, v3  }
0x1b2: {  	v6 =	vld [tilespmem:s12+$0x0];
	v9 =	vadd.s32 v10, v9;
	v10 =	vsel vm14, $0x1, v2;
	vm15 =	vge.s32 v5, v3  }
0x1b3: {  	s20 =	simm.s32 $0x8;
	p2 =	por $0x1, $0x1;
	v5 =	vld [tilespmem:s12+$0x10];
	v9 =	vadd.s32 v10, v9;
	v10 =	vsel vm15, $0x1, v2  }
.LBB2_41:
0x1b4: {  	s20 =	sadd.s32 $0x4, s20  }
0x1b5: {  	v9 =	vadd.s32 v10, v9;
	p3 =	slt.s32 s20, s29  }
.Ltmp27:
0x1b6: {  	s12 =	sadd.s32 $0x40, s12;
	vm0 =	vge.s32 v8, v3;
	(pc) =	sbr.rel @p3 .LBB2_41-.Ltmp27, $4  }
0x1b7: {  	v8 =	vld [tilespmem:s12+$0xFFFFFFE0];
	v10 =	vsel vm0, $0x1, v2;
	vm0 =	vge.s32 v7, v3  }
0x1b8: {  	v7 =	vld [tilespmem:s12+$0xFFFFFFF0];
	v9 =	vadd.s32 v10, v9;
	v10 =	vsel vm0, $0x1, v2;
	vm0 =	vge.s32 v6, v3  }
0x1b9: {  	v6 =	vld [tilespmem:s12+$0x0];
	v9 =	vadd.s32 v10, v9;
	v10 =	vsel vm0, $0x1, v2;
	vm0 =	vge.s32 v5, v3  }
0x1ba: {  	v5 =	vld [tilespmem:s12+$0x10];
	v9 =	vadd.s32 v10, v9;
	v10 =	vsel vm0, $0x1, v2  }
.LBB2_42:
0x1bb: {  	_ = 	snop  }
0x1bc: {  	v9 =	vadd.s32 @p2 v10, v9;
	vm0 =	vge.s32 v8, v3  }
0x1bd: {  	v4 =	vpsel p2, v9, v4;
	v8 =	vsel vm0, $0x1, v2;
	vm13 =	vge.s32 v7, v3  }
0x1be: {  	v4 =	vadd.s32 v8, v4;
	v7 =	vsel vm13, $0x1, v2;
	vm14 =	vge.s32 v6, v3  }
0x1bf: {  	v4 =	vadd.s32 v7, v4;
	v6 =	vsel vm14, $0x1, v2;
	vm15 =	vge.s32 v5, v3  }
0x1c0: {  	v4 =	vadd.s32 v6, v4;
	v5 =	vsel vm15, $0x1, v2  }
0x1c1: {  	v4 =	vadd.s32 v5, v4  }
.LBB2_26:
.Ltmp28:
0x1c2: {  	(pc) =	sbr.rel @p1 .LBB2_29-.Ltmp28, $1  }
0x1c3: {  	_ =	sdelay $0x3  }
0x1c4: {  	s12 =	smov.u32 s30;
	s20 =	smov.u32 s29  }
.LBB2_28:
0x1c5: {  	v5 =	vld [tilespmem:s12+$0x0]  }
0x1c6: {  	s20 =	sadd.s32 $0x1, s20  }
0x1c7: {  	p2 =	slt.s32 s20, s28  }
.Ltmp29:
0x1c8: {  	_ = 	snop;
	(pc) =	sbr.rel @p2 .LBB2_28-.Ltmp29, $4  }
0x1c9: {  	_ = 	snop  }
0x1ca: {  	vm0 =	vge.s32 v5, v3  }
0x1cb: {  	v5 =	vsel vm0, $0x1, v2  }
0x1cc: {  	s12 =	sadd.s32 $0x10, s12;
	v4 =	vadd.s32 v5, v4  }
.Ltmp30:
0x1cd: {  	_ = 	snop;
	(pc) =	sbr.rel .LBB2_29-.Ltmp30, $1  }
0x1ce: {  	_ =	sdelay $0x3  }
.LBB2_39:
.Ltmp31:
0x1cf: {  	(pc) =	sbr.rel .LBB2_42-.Ltmp31, $2  }
0x1d0: {  	_ =	sdelay $0x2  }
0x1d1: {  	_ = 	snop  }
.LBB2_32:
0x1d2: {  	_ =	sfence.sel $0x180000  }
0x1d3: {  	[bflag:$0x0] =	sbarrier.arrive $0xFFFF  }
0x1d4: {  	_ =	strace $0x90000047  }
0x1d5: {  	s0 =	stileid.u32;
	[bflag:$0x2] =	sbarrier.arrive $0xFFFF  }
0x1d6: {  	p0 =	sne.s32 s0, $0x0;
	s0 =	rddreg [dreg:$0x2]  }
0x1d7: {  	s0 =	sadd.s32 @!p0 $0x100000, s0  }
0x1d8: {  	[sflag:s0] =	ssyncadd.tile.s32 @!p0 $0x1;
	_ =	shalt  }
.Lfunc_end2:
_tile_overlayer_lowered:
.L_overlay_start_2:
0x1d9: {  	(tag) =	ssettag $0x2  }
0x1da: {  	s0 =	rddreg [dreg:$0x0];
	s2 =	stileid.u32  }
0x1db: {  	s1 =	rddreg [dreg:$0x1];
	p0 =	sne.s32 s2, $0x0  }
0x1dc: {  	s3 =	rddreg [dreg:$0x2];
	[bflag:$0x3] =	sbarrier.arrive $0xFFFF;
	s2 =	simm.s32 @!p0 $0x1C03  }
0x1dd: {  	[timem:s3], [sflag:s2] =	dma.local @!p0 [hbm:s0], s1  }
0x1de: {  	s0 =	simm.s32 @!p0 $0x3  }
0x1df: {  	_ =	swait.ge @!p0 [sflag:s0], s1  }
0x1e0: {  	s1 =	ssub.s32 @!p0 $0x0, s1;
	[sflag:s0] =	ssyncset.done @!p0 $0x0  }
0x1e1: {  	[sflag:s0] =	ssyncadd.s32 @!p0 s1  }
0x1e2: {  	[bflag:$0x3] =	sbarrier.arrive $0xFFFF  }
0x1e3: {  	_ =	shalt  }

</sc_bundles>
